<compile_context>
chip_gen: v7x
topology: tpu7x:2x2x1
jax: 0.10.2.dev20260603
libtpu: 0.0.44.dev20260713+nightly
codegen_flags: <defaults>
</compile_context>

<pallas_src>
import functools

import jax
import jax.numpy as jnp
from jax import lax
from jax.experimental import pallas as pl
from jax.experimental.pallas import tpu as pltpu
from jax.experimental.pallas import tpu_sc as plsc

NUM_NODE_TYPES = 1000
NUM_EDGE_TYPES = 1000
EMBED_DIM = 64
BATCH = 16384

NC = 2
NS = 16
NW = NC * NS
B_PER_W = BATCH // NW
CHUNK = 128
NCHUNK = B_PER_W // CHUNK
LANES = 16
VECS_PER_ROW = EMBED_DIM // LANES
TAB_ROWS = NUM_NODE_TYPES + NUM_EDGE_TYPES
STAGE_ROWS = TAB_ROWS // NS


def _sc_body(node_hbm, edge_hbm, src_hbm, edg_hbm, dst_hbm, out_hbm,
             tab_sh, src_idx, edg_idx, dst_idx, a_rows, b_rows, c_rows,
             gsems, osem):
    cid = lax.axis_index("c")
    sid = lax.axis_index("s")
    wid = sid * NC + cid
    base = wid * B_PER_W

    pltpu.sync_copy(src_hbm.at[wid], src_idx)
    pltpu.sync_copy(edg_hbm.at[wid], edg_idx)
    pltpu.sync_copy(dst_hbm.at[wid], dst_idx)

    row0 = sid * STAGE_ROWS

    @pl.when(sid < NS // 2)
    def _():
        pltpu.sync_copy(node_hbm.at[pl.ds(row0, STAGE_ROWS)],
                        tab_sh.at[pl.ds(row0, STAGE_ROWS)])

    @pl.when(sid >= NS // 2)
    def _():
        pltpu.sync_copy(edge_hbm.at[pl.ds(row0 - NUM_NODE_TYPES, STAGE_ROWS)],
                        tab_sh.at[pl.ds(row0, STAGE_ROWS)])

    plsc.subcore_barrier()

    gather_waits = []
    for j in range(NCHUNK):
        rows = pl.ds(j * CHUNK, CHUNK)
        sem = gsems.at[j]
        gather_waits.append((
            pltpu.async_copy(tab_sh.at[src_idx.at[j]], a_rows.at[rows], sem),
            pltpu.async_copy(tab_sh.at[edg_idx.at[j]], b_rows.at[rows], sem),
            pltpu.async_copy(tab_sh.at[dst_idx.at[j]], c_rows.at[rows], sem),
        ))

    out_waits = []
    for j in range(NCHUNK):
        for w in gather_waits[j]:
            w.wait()

        @plsc.parallel_loop(j * CHUNK * VECS_PER_ROW,
                            (j + 1) * CHUNK * VECS_PER_ROW, unroll=4)
        def _vec(i):
            r = i // VECS_PER_ROW
            cols = pl.ds((i % VECS_PER_ROW) * LANES, LANES)
            a_rows[r, cols] = a_rows[r, cols] - b_rows[r, cols] + c_rows[r, cols]

        out_waits.append(pltpu.async_copy(
            a_rows.at[pl.ds(j * CHUNK, CHUNK)],
            out_hbm.at[pl.ds(base + j * CHUNK, CHUNK)], osem))

    for w in out_waits:
        w.wait()


@jax.jit
def _sc_call(node_table, edge_table, src3, edg3, dst3):
    mesh = plsc.VectorSubcoreMesh(core_axis_name="c", subcore_axis_name="s")
    return pl.kernel(
        _sc_body,
        mesh=mesh,
        compiler_params=pltpu.CompilerParams(use_tc_tiling_on_sc=False),
        out_type=jax.ShapeDtypeStruct((BATCH, EMBED_DIM), jnp.float32),
        scratch_types=[
            pltpu.VMEM_SHARED((TAB_ROWS, EMBED_DIM), jnp.float32),
            pltpu.VMEM((NCHUNK, CHUNK), jnp.int32),
            pltpu.VMEM((NCHUNK, CHUNK), jnp.int32),
            pltpu.VMEM((NCHUNK, CHUNK), jnp.int32),
            pltpu.VMEM((B_PER_W, EMBED_DIM), jnp.float32),
            pltpu.VMEM((B_PER_W, EMBED_DIM), jnp.float32),
            pltpu.VMEM((B_PER_W, EMBED_DIM), jnp.float32),
            pltpu.SemaphoreType.DMA((NCHUNK,)),
            pltpu.SemaphoreType.DMA,
        ],
    )(node_table, edge_table, src3, edg3, dst3)


def kernel(src_type_idx, edge_type_idx, dst_type_idx, node_table, edge_table):
    src3 = src_type_idx.astype(jnp.int32).reshape(NW, NCHUNK, CHUNK)
    edg3 = (edge_type_idx.astype(jnp.int32) + NUM_NODE_TYPES).reshape(
        NW, NCHUNK, CHUNK)
    dst3 = dst_type_idx.astype(jnp.int32).reshape(NW, NCHUNK, CHUNK)
    return _sc_call(node_table, edge_table, src3, edg3, dst3)

# --- scband reference (transcript-rebuilt; emitter-appended) ---
"""Pipeline reference for scband-compositional-relation-embedding-38259568673232 (READ-ONLY COPY).

The authoritative reference and input builder live on the scoring server;
editing this copy changes nothing except your own understanding.
"""

import jax, jax.numpy as jnp
import numpy as np

NUM_NODE_TYPES = 1000
NUM_EDGE_TYPES = 1000
EMBED_DIM = 64
BATCH = 16384

def _xavier_uniform(key, shape):
    fan_in, fan_out = shape[0], shape[1]
    limit = float(np.sqrt(6.0 / (fan_in + fan_out)))
    return jax.random.uniform(key, shape, minval=-limit, maxval=limit, dtype=jnp.float32)

def setup_inputs(seed: int = 0) -> dict:
    key = jax.random.key(seed)
    k1, k2, k3, k4, k5 = jax.random.split(key, 5)
    src_type_idx = jax.random.randint(k1, (BATCH,), 0, NUM_NODE_TYPES, dtype=jnp.int64 if jax.config.jax_enable_x64 else jnp.int32)
    edge_type_idx = jax.random.randint(k2, (BATCH,), 0, NUM_EDGE_TYPES, dtype=jnp.int64 if jax.config.jax_enable_x64 else jnp.int32)
    dst_type_idx = jax.random.randint(k3, (BATCH,), 0, NUM_NODE_TYPES, dtype=jnp.int64 if jax.config.jax_enable_x64 else jnp.int32)
    node_table = _xavier_uniform(k4, (NUM_NODE_TYPES, EMBED_DIM))
    edge_table = _xavier_uniform(k5, (NUM_EDGE_TYPES, EMBED_DIM))
    return {
        "src_type_idx": src_type_idx,
        "edge_type_idx": edge_type_idx,
        "dst_type_idx": dst_type_idx,
        "node_table": node_table,
        "edge_table": edge_table,
    }

def reference(src_type_idx, edge_type_idx, dst_type_idx, node_table, edge_table):
    # Faithful translation of CompositionalRelationEmbedding.forward with
    # compose_mode='subtraction': e_src - e_edge + e_dst
    e_src = jnp.take(node_table, src_type_idx, axis=0)
    e_edge = jnp.take(edge_table, edge_type_idx, axis=0)
    e_dst = jnp.take(node_table, dst_type_idx, axis=0)
    return e_src - e_edge + e_dst

if __name__ == "__main__":
    import jax
    _d = setup_inputs()
    print(jax.jit(kernel)(*tuple(_d.values())))

</pallas_src>

<mosaic_0001>
#map = affine_map<(d0, d1) -> (0, 0)>
#map1 = affine_map<(d0, d1) -> (0, 0, 0)>
module attributes {stable_mosaic.version = 14 : i64} {
  func.func @_sc_body(%arg0: i32, %arg1: i32, %arg2: memref<1000x64xf32, #tpu.memory_space<hbm>>, %arg3: memref<1000x64xf32, #tpu.memory_space<hbm>>, %arg4: memref<32x4x128xi32, #tpu.memory_space<hbm>>, %arg5: memref<32x4x128xi32, #tpu.memory_space<hbm>>, %arg6: memref<32x4x128xi32, #tpu.memory_space<hbm>>, %arg7: memref<16384x64xf32, #tpu.memory_space<hbm>>, %arg8: memref<2000x64xf32, #tpu.memory_space<vmem_shared>>, %arg9: memref<4x128xi32, #tpu.memory_space<vmem>>, %arg10: memref<4x128xi32, #tpu.memory_space<vmem>>, %arg11: memref<4x128xi32, #tpu.memory_space<vmem>>, %arg12: memref<512x64xf32, #tpu.memory_space<vmem>>, %arg13: memref<512x64xf32, #tpu.memory_space<vmem>>, %arg14: memref<512x64xf32, #tpu.memory_space<vmem>>, %arg15: memref<4x!tpu.dma_semaphore, #tpu.memory_space<semaphore_mem>>, %arg16: memref<!tpu.dma_semaphore, #tpu.memory_space<semaphore_mem>>) attributes {dimension_semantics = [#tpu.dimension_semantics<core_parallel>, #tpu.dimension_semantics<subcore_parallel>], iteration_bounds = array<i64: 2, 16>, scalar_prefetch = 0 : i64, scratch_operands = 9 : i64, tpu.core_type = #tpu.core_type<sc_vector_subcore>, window_params = [{transform_indices = #map}, {transform_indices = #map}, {transform_indices = #map1}, {transform_indices = #map1}, {transform_indices = #map1}, {transform_indices = #map}]} {
    %mul3A = arith.constant 2 : i32
    %mul3A_0 = arith.muli %arg1, %mul3A : i32
    %add3A = arith.addi %mul3A_0, %arg0 : i32
    %mul3A_1 = arith.constant 512 : i32
    %mul3A_2 = arith.muli %add3A, %mul3A_1 : i32
    "tpu.region"() ({
      %run_scoped3A = tpu.sem_alloc : memref<!tpu.dma_semaphore, #tpu.memory_space<semaphore_mem>>
      %dma_start3A_420 = arith.constant 0 : i32
      %dma_start3A_421 = arith.constant 0 : i32
      %dma_start3A_422 = tpu.memref_slice %arg4[%add3A, %dma_start3A_420, %dma_start3A_421] : memref<32x4x128xi32, #tpu.memory_space<hbm>> -> memref<1x4x128xi32, #tpu.memory_space<hbm>>
      %dma_start3A_423 = tpu.memref_squeeze %dma_start3A_422 : memref<1x4x128xi32, #tpu.memory_space<hbm>> -> memref<4x128xi32, #tpu.memory_space<hbm>>
      %dma_start3A_424 = arith.constant 0 : i32
      %dma_start3A_425 = arith.constant 0 : i32
      %dma_start3A_426 = tpu.memref_slice %arg4[%add3A, %dma_start3A_424, %dma_start3A_425] : memref<32x4x128xi32, #tpu.memory_space<hbm>> -> memref<1x4x128xi32, #tpu.memory_space<hbm>>
      %dma_start3A_427 = tpu.memref_squeeze %dma_start3A_426 : memref<1x4x128xi32, #tpu.memory_space<hbm>> -> memref<4x128xi32, #tpu.memory_space<hbm>>
      tpu.enqueue_dma source(%dma_start3A_427 : memref<4x128xi32, #tpu.memory_space<hbm>>) target(%arg9 : memref<4x128xi32, #tpu.memory_space<vmem>>) target_semaphore(%run_scoped3A : memref<!tpu.dma_semaphore, #tpu.memory_space<semaphore_mem>>)
      %dma_wait3A_428 = arith.constant 0 : i32
      %dma_wait3A_429 = arith.constant 0 : i32
      %dma_wait3A_430 = tpu.memref_slice %arg4[%add3A, %dma_wait3A_428, %dma_wait3A_429] : memref<32x4x128xi32, #tpu.memory_space<hbm>> -> memref<1x4x128xi32, #tpu.memory_space<hbm>>
      %dma_wait3A_431 = tpu.memref_squeeze %dma_wait3A_430 : memref<1x4x128xi32, #tpu.memory_space<hbm>> -> memref<4x128xi32, #tpu.memory_space<hbm>>
      %dma_wait3A_432 = arith.constant 0 : i32
      %dma_wait3A_433 = arith.constant 0 : i32
      %dma_wait3A_434 = tpu.memref_slice %arg4[%add3A, %dma_wait3A_432, %dma_wait3A_433] : memref<32x4x128xi32, #tpu.memory_space<hbm>> -> memref<1x4x128xi32, #tpu.memory_space<hbm>>
      %dma_wait3A_435 = tpu.memref_squeeze %dma_wait3A_434 : memref<1x4x128xi32, #tpu.memory_space<hbm>> -> memref<4x128xi32, #tpu.memory_space<hbm>>
      tpu.wait_dma2 semaphore(%run_scoped3A : memref<!tpu.dma_semaphore, #tpu.memory_space<semaphore_mem>>) src(%dma_wait3A_435 : memref<4x128xi32, #tpu.memory_space<hbm>>) dst(%arg9 : memref<4x128xi32, #tpu.memory_space<vmem>>)
      tpu.yield
    }) : () -> ()
    "tpu.region"() ({
      %run_scoped3A = tpu.sem_alloc : memref<!tpu.dma_semaphore, #tpu.memory_space<semaphore_mem>>
      %dma_start3A_420 = arith.constant 0 : i32
      %dma_start3A_421 = arith.constant 0 : i32
      %dma_start3A_422 = tpu.memref_slice %arg5[%add3A, %dma_start3A_420, %dma_start3A_421] : memref<32x4x128xi32, #tpu.memory_space<hbm>> -> memref<1x4x128xi32, #tpu.memory_space<hbm>>
      %dma_start3A_423 = tpu.memref_squeeze %dma_start3A_422 : memref<1x4x128xi32, #tpu.memory_space<hbm>> -> memref<4x128xi32, #tpu.memory_space<hbm>>
      %dma_start3A_424 = arith.constant 0 : i32
      %dma_start3A_425 = arith.constant 0 : i32
      %dma_start3A_426 = tpu.memref_slice %arg5[%add3A, %dma_start3A_424, %dma_start3A_425] : memref<32x4x128xi32, #tpu.memory_space<hbm>> -> memref<1x4x128xi32, #tpu.memory_space<hbm>>
      %dma_start3A_427 = tpu.memref_squeeze %dma_start3A_426 : memref<1x4x128xi32, #tpu.memory_space<hbm>> -> memref<4x128xi32, #tpu.memory_space<hbm>>
      tpu.enqueue_dma source(%dma_start3A_427 : memref<4x128xi32, #tpu.memory_space<hbm>>) target(%arg10 : memref<4x128xi32, #tpu.memory_space<vmem>>) target_semaphore(%run_scoped3A : memref<!tpu.dma_semaphore, #tpu.memory_space<semaphore_mem>>)
      %dma_wait3A_428 = arith.constant 0 : i32
      %dma_wait3A_429 = arith.constant 0 : i32
      %dma_wait3A_430 = tpu.memref_slice %arg5[%add3A, %dma_wait3A_428, %dma_wait3A_429] : memref<32x4x128xi32, #tpu.memory_space<hbm>> -> memref<1x4x128xi32, #tpu.memory_space<hbm>>
      %dma_wait3A_431 = tpu.memref_squeeze %dma_wait3A_430 : memref<1x4x128xi32, #tpu.memory_space<hbm>> -> memref<4x128xi32, #tpu.memory_space<hbm>>
      %dma_wait3A_432 = arith.constant 0 : i32
      %dma_wait3A_433 = arith.constant 0 : i32
      %dma_wait3A_434 = tpu.memref_slice %arg5[%add3A, %dma_wait3A_432, %dma_wait3A_433] : memref<32x4x128xi32, #tpu.memory_space<hbm>> -> memref<1x4x128xi32, #tpu.memory_space<hbm>>
      %dma_wait3A_435 = tpu.memref_squeeze %dma_wait3A_434 : memref<1x4x128xi32, #tpu.memory_space<hbm>> -> memref<4x128xi32, #tpu.memory_space<hbm>>
      tpu.wait_dma2 semaphore(%run_scoped3A : memref<!tpu.dma_semaphore, #tpu.memory_space<semaphore_mem>>) src(%dma_wait3A_435 : memref<4x128xi32, #tpu.memory_space<hbm>>) dst(%arg10 : memref<4x128xi32, #tpu.memory_space<vmem>>)
      tpu.yield
    }) : () -> ()
    "tpu.region"() ({
      %run_scoped3A = tpu.sem_alloc : memref<!tpu.dma_semaphore, #tpu.memory_space<semaphore_mem>>
      %dma_start3A_420 = arith.constant 0 : i32
      %dma_start3A_421 = arith.constant 0 : i32
      %dma_start3A_422 = tpu.memref_slice %arg6[%add3A, %dma_start3A_420, %dma_start3A_421] : memref<32x4x128xi32, #tpu.memory_space<hbm>> -> memref<1x4x128xi32, #tpu.memory_space<hbm>>
      %dma_start3A_423 = tpu.memref_squeeze %dma_start3A_422 : memref<1x4x128xi32, #tpu.memory_space<hbm>> -> memref<4x128xi32, #tpu.memory_space<hbm>>
      %dma_start3A_424 = arith.constant 0 : i32
      %dma_start3A_425 = arith.constant 0 : i32
      %dma_start3A_426 = tpu.memref_slice %arg6[%add3A, %dma_start3A_424, %dma_start3A_425] : memref<32x4x128xi32, #tpu.memory_space<hbm>> -> memref<1x4x128xi32, #tpu.memory_space<hbm>>
      %dma_start3A_427 = tpu.memref_squeeze %dma_start3A_426 : memref<1x4x128xi32, #tpu.memory_space<hbm>> -> memref<4x128xi32, #tpu.memory_space<hbm>>
      tpu.enqueue_dma source(%dma_start3A_427 : memref<4x128xi32, #tpu.memory_space<hbm>>) target(%arg11 : memref<4x128xi32, #tpu.memory_space<vmem>>) target_semaphore(%run_scoped3A : memref<!tpu.dma_semaphore, #tpu.memory_space<semaphore_mem>>)
      %dma_wait3A_428 = arith.constant 0 : i32
      %dma_wait3A_429 = arith.constant 0 : i32
      %dma_wait3A_430 = tpu.memref_slice %arg6[%add3A, %dma_wait3A_428, %dma_wait3A_429] : memref<32x4x128xi32, #tpu.memory_space<hbm>> -> memref<1x4x128xi32, #tpu.memory_space<hbm>>
      %dma_wait3A_431 = tpu.memref_squeeze %dma_wait3A_430 : memref<1x4x128xi32, #tpu.memory_space<hbm>> -> memref<4x128xi32, #tpu.memory_space<hbm>>
      %dma_wait3A_432 = arith.constant 0 : i32
      %dma_wait3A_433 = arith.constant 0 : i32
      %dma_wait3A_434 = tpu.memref_slice %arg6[%add3A, %dma_wait3A_432, %dma_wait3A_433] : memref<32x4x128xi32, #tpu.memory_space<hbm>> -> memref<1x4x128xi32, #tpu.memory_space<hbm>>
      %dma_wait3A_435 = tpu.memref_squeeze %dma_wait3A_434 : memref<1x4x128xi32, #tpu.memory_space<hbm>> -> memref<4x128xi32, #tpu.memory_space<hbm>>
      tpu.wait_dma2 semaphore(%run_scoped3A : memref<!tpu.dma_semaphore, #tpu.memory_space<semaphore_mem>>) src(%dma_wait3A_435 : memref<4x128xi32, #tpu.memory_space<hbm>>) dst(%arg11 : memref<4x128xi32, #tpu.memory_space<vmem>>)
      tpu.yield
    }) : () -> ()
    %mul3A_3 = arith.constant 125 : i32
    %mul3A_4 = arith.muli %arg1, %mul3A_3 : i32
    %lt3A = arith.constant 8 : i32
    %lt3A_5 = arith.cmpi slt, %arg1, %lt3A : i32
    %convert_element_type3A = arith.extui %lt3A_5 : i1 to i32
    %cond3A = arith.constant 0 : i32
    %cond3A_6 = arith.cmpi ne, %convert_element_type3A, %cond3A : i32
    scf.if %cond3A_6 {
      "tpu.region"() ({
        %run_scoped3A = tpu.sem_alloc : memref<!tpu.dma_semaphore, #tpu.memory_space<semaphore_mem>>
        %dma_start3A_420 = arith.constant 0 : i32
        %dma_start3A_421 = tpu.memref_slice %arg8[%mul3A_4, %dma_start3A_420] : memref<2000x64xf32, #tpu.memory_space<vmem_shared>> -> memref<125x64xf32, #tpu.memory_space<vmem_shared>>
        %dma_start3A_422 = arith.constant 0 : i32
        %dma_start3A_423 = tpu.memref_slice %arg2[%mul3A_4, %dma_start3A_422] : memref<1000x64xf32, #tpu.memory_space<hbm>> -> memref<125x64xf32, #tpu.memory_space<hbm>>
        tpu.enqueue_dma source(%dma_start3A_423 : memref<125x64xf32, #tpu.memory_space<hbm>>) target(%dma_start3A_421 : memref<125x64xf32, #tpu.memory_space<vmem_shared>>) target_semaphore(%run_scoped3A : memref<!tpu.dma_semaphore, #tpu.memory_space<semaphore_mem>>)
        %dma_wait3A_424 = arith.constant 0 : i32
        %dma_wait3A_425 = tpu.memref_slice %arg8[%mul3A_4, %dma_wait3A_424] : memref<2000x64xf32, #tpu.memory_space<vmem_shared>> -> memref<125x64xf32, #tpu.memory_space<vmem_shared>>
        %dma_wait3A_426 = arith.constant 0 : i32
        %dma_wait3A_427 = tpu.memref_slice %arg2[%mul3A_4, %dma_wait3A_426] : memref<1000x64xf32, #tpu.memory_space<hbm>> -> memref<125x64xf32, #tpu.memory_space<hbm>>
        tpu.wait_dma2 semaphore(%run_scoped3A : memref<!tpu.dma_semaphore, #tpu.memory_space<semaphore_mem>>) src(%dma_wait3A_427 : memref<125x64xf32, #tpu.memory_space<hbm>>) dst(%dma_wait3A_425 : memref<125x64xf32, #tpu.memory_space<vmem_shared>>)
        tpu.yield
      }) : () -> ()
    } else {
    }
    %ge3A = arith.constant 8 : i32
    %ge3A_7 = arith.cmpi sge, %arg1, %ge3A : i32
    %convert_element_type3A_8 = arith.extui %ge3A_7 : i1 to i32
    %cond3A_9 = arith.constant 0 : i32
    %cond3A_10 = arith.cmpi ne, %convert_element_type3A_8, %cond3A_9 : i32
    scf.if %cond3A_10 {
      %sub3A = arith.constant 1000 : i32
      %sub3A_420 = arith.subi %mul3A_4, %sub3A : i32
      "tpu.region"() ({
        %run_scoped3A = tpu.sem_alloc : memref<!tpu.dma_semaphore, #tpu.memory_space<semaphore_mem>>
        %dma_start3A_421 = arith.constant 0 : i32
        %dma_start3A_422 = tpu.memref_slice %arg8[%mul3A_4, %dma_start3A_421] : memref<2000x64xf32, #tpu.memory_space<vmem_shared>> -> memref<125x64xf32, #tpu.memory_space<vmem_shared>>
        %dma_start3A_423 = arith.constant 0 : i32
        %dma_start3A_424 = tpu.memref_slice %arg3[%sub3A_420, %dma_start3A_423] : memref<1000x64xf32, #tpu.memory_space<hbm>> -> memref<125x64xf32, #tpu.memory_space<hbm>>
        tpu.enqueue_dma source(%dma_start3A_424 : memref<125x64xf32, #tpu.memory_space<hbm>>) target(%dma_start3A_422 : memref<125x64xf32, #tpu.memory_space<vmem_shared>>) target_semaphore(%run_scoped3A : memref<!tpu.dma_semaphore, #tpu.memory_space<semaphore_mem>>)
        %dma_wait3A_425 = arith.constant 0 : i32
        %dma_wait3A_426 = tpu.memref_slice %arg8[%mul3A_4, %dma_wait3A_425] : memref<2000x64xf32, #tpu.memory_space<vmem_shared>> -> memref<125x64xf32, #tpu.memory_space<vmem_shared>>
        %dma_wait3A_427 = arith.constant 0 : i32
        %dma_wait3A_428 = tpu.memref_slice %arg3[%sub3A_420, %dma_wait3A_427] : memref<1000x64xf32, #tpu.memory_space<hbm>> -> memref<125x64xf32, #tpu.memory_space<hbm>>
        tpu.wait_dma2 semaphore(%run_scoped3A : memref<!tpu.dma_semaphore, #tpu.memory_space<semaphore_mem>>) src(%dma_wait3A_428 : memref<125x64xf32, #tpu.memory_space<hbm>>) dst(%dma_wait3A_426 : memref<125x64xf32, #tpu.memory_space<vmem_shared>>)
        tpu.yield
      }) : () -> ()
    } else {
    }
    %barrier3A = arith.constant 0 : index
    tpu.barrier barrier_id(%barrier3A)
    %dma_start3A = arith.constant 0 : i32
    %dma_start3A_11 = arith.constant 0 : i32
    %dma_start3A_12 = arith.constant 0 : i32
    %dma_start3A_13 = arith.constant 0 : i32
    %dma_start3A_14 = tpu.memref_slice %arg12[%dma_start3A_12, %dma_start3A_13] : memref<512x64xf32, #tpu.memory_space<vmem>> -> memref<128x64xf32, #tpu.memory_space<vmem>>
    %dma_start3A_15 = arith.constant 0 : i32
    %dma_start3A_16 = tpu.memref_slice %arg9[%dma_start3A, %dma_start3A_15] : memref<4x128xi32, #tpu.memory_space<vmem>> -> memref<1x128xi32, #tpu.memory_space<vmem>>
    %dma_start3A_17 = tpu.memref_squeeze %dma_start3A_16 : memref<1x128xi32, #tpu.memory_space<vmem>> -> memref<128xi32, #tpu.memory_space<vmem>>
    %dma_start3A_18 = arith.constant 0 : i32
    %dma_start3A_19 = arith.constant 0 : i32
    %dma_start3A_20 = tpu.memref_slice %arg8[%dma_start3A_18, %dma_start3A_19] : memref<2000x64xf32, #tpu.memory_space<vmem_shared>> -> memref<2000x64xf32, #tpu.memory_space<vmem_shared>>
    %dma_start3A_21 = tpu.memref_slice %arg15[%dma_start3A_11] : memref<4x!tpu.dma_semaphore, #tpu.memory_space<semaphore_mem>> -> memref<1x!tpu.dma_semaphore, #tpu.memory_space<semaphore_mem>>
    %dma_start3A_22 = tpu.memref_squeeze %dma_start3A_21 : memref<1x!tpu.dma_semaphore, #tpu.memory_space<semaphore_mem>> -> memref<!tpu.dma_semaphore, #tpu.memory_space<semaphore_mem>>
    tpu.enqueue_indirect_dma source(%dma_start3A_20 : memref<2000x64xf32, #tpu.memory_space<vmem_shared>>) target(%dma_start3A_14 : memref<128x64xf32, #tpu.memory_space<vmem>>) offsets(%dma_start3A_17 : memref<128xi32, #tpu.memory_space<vmem>>) semaphore(%dma_start3A_22 : memref<!tpu.dma_semaphore, #tpu.memory_space<semaphore_mem>>)
    %dma_start3A_23 = arith.constant 0 : i32
    %dma_start3A_24 = arith.constant 0 : i32
    %dma_start3A_25 = arith.constant 0 : i32
    %dma_start3A_26 = arith.constant 0 : i32
    %dma_start3A_27 = tpu.memref_slice %arg13[%dma_start3A_25, %dma_start3A_26] : memref<512x64xf32, #tpu.memory_space<vmem>> -> memref<128x64xf32, #tpu.memory_space<vmem>>
    %dma_start3A_28 = arith.constant 0 : i32
    %dma_start3A_29 = tpu.memref_slice %arg10[%dma_start3A_23, %dma_start3A_28] : memref<4x128xi32, #tpu.memory_space<vmem>> -> memref<1x128xi32, #tpu.memory_space<vmem>>
    %dma_start3A_30 = tpu.memref_squeeze %dma_start3A_29 : memref<1x128xi32, #tpu.memory_space<vmem>> -> memref<128xi32, #tpu.memory_space<vmem>>
    %dma_start3A_31 = arith.constant 0 : i32
    %dma_start3A_32 = arith.constant 0 : i32
    %dma_start3A_33 = tpu.memref_slice %arg8[%dma_start3A_31, %dma_start3A_32] : memref<2000x64xf32, #tpu.memory_space<vmem_shared>> -> memref<2000x64xf32, #tpu.memory_space<vmem_shared>>
    %dma_start3A_34 = tpu.memref_slice %arg15[%dma_start3A_24] : memref<4x!tpu.dma_semaphore, #tpu.memory_space<semaphore_mem>> -> memref<1x!tpu.dma_semaphore, #tpu.memory_space<semaphore_mem>>
    %dma_start3A_35 = tpu.memref_squeeze %dma_start3A_34 : memref<1x!tpu.dma_semaphore, #tpu.memory_space<semaphore_mem>> -> memref<!tpu.dma_semaphore, #tpu.memory_space<semaphore_mem>>
    tpu.enqueue_indirect_dma source(%dma_start3A_33 : memref<2000x64xf32, #tpu.memory_space<vmem_shared>>) target(%dma_start3A_27 : memref<128x64xf32, #tpu.memory_space<vmem>>) offsets(%dma_start3A_30 : memref<128xi32, #tpu.memory_space<vmem>>) semaphore(%dma_start3A_35 : memref<!tpu.dma_semaphore, #tpu.memory_space<semaphore_mem>>)
    %dma_start3A_36 = arith.constant 0 : i32
    %dma_start3A_37 = arith.constant 0 : i32
    %dma_start3A_38 = arith.constant 0 : i32
    %dma_start3A_39 = arith.constant 0 : i32
    %dma_start3A_40 = tpu.memref_slice %arg14[%dma_start3A_38, %dma_start3A_39] : memref<512x64xf32, #tpu.memory_space<vmem>> -> memref<128x64xf32, #tpu.memory_space<vmem>>
    %dma_start3A_41 = arith.constant 0 : i32
    %dma_start3A_42 = tpu.memref_slice %arg11[%dma_start3A_36, %dma_start3A_41] : memref<4x128xi32, #tpu.memory_space<vmem>> -> memref<1x128xi32, #tpu.memory_space<vmem>>
    %dma_start3A_43 = tpu.memref_squeeze %dma_start3A_42 : memref<1x128xi32, #tpu.memory_space<vmem>> -> memref<128xi32, #tpu.memory_space<vmem>>
    %dma_start3A_44 = arith.constant 0 : i32
    %dma_start3A_45 = arith.constant 0 : i32
    %dma_start3A_46 = tpu.memref_slice %arg8[%dma_start3A_44, %dma_start3A_45] : memref<2000x64xf32, #tpu.memory_space<vmem_shared>> -> memref<2000x64xf32, #tpu.memory_space<vmem_shared>>
    %dma_start3A_47 = tpu.memref_slice %arg15[%dma_start3A_37] : memref<4x!tpu.dma_semaphore, #tpu.memory_space<semaphore_mem>> -> memref<1x!tpu.dma_semaphore, #tpu.memory_space<semaphore_mem>>
    %dma_start3A_48 = tpu.memref_squeeze %dma_start3A_47 : memref<1x!tpu.dma_semaphore, #tpu.memory_space<semaphore_mem>> -> memref<!tpu.dma_semaphore, #tpu.memory_space<semaphore_mem>>
    tpu.enqueue_indirect_dma source(%dma_start3A_46 : memref<2000x64xf32, #tpu.memory_space<vmem_shared>>) target(%dma_start3A_40 : memref<128x64xf32, #tpu.memory_space<vmem>>) offsets(%dma_start3A_43 : memref<128xi32, #tpu.memory_space<vmem>>) semaphore(%dma_start3A_48 : memref<!tpu.dma_semaphore, #tpu.memory_space<semaphore_mem>>)
    %dma_start3A_49 = arith.constant 1 : i32
    %dma_start3A_50 = arith.constant 1 : i32
    %dma_start3A_51 = arith.constant 128 : i32
    %dma_start3A_52 = arith.constant 0 : i32
    %dma_start3A_53 = tpu.memref_slice %arg12[%dma_start3A_51, %dma_start3A_52] : memref<512x64xf32, #tpu.memory_space<vmem>> -> memref<128x64xf32, #tpu.memory_space<vmem>>
    %dma_start3A_54 = arith.constant 0 : i32
    %dma_start3A_55 = tpu.memref_slice %arg9[%dma_start3A_49, %dma_start3A_54] : memref<4x128xi32, #tpu.memory_space<vmem>> -> memref<1x128xi32, #tpu.memory_space<vmem>>
    %dma_start3A_56 = tpu.memref_squeeze %dma_start3A_55 : memref<1x128xi32, #tpu.memory_space<vmem>> -> memref<128xi32, #tpu.memory_space<vmem>>
    %dma_start3A_57 = arith.constant 0 : i32
    %dma_start3A_58 = arith.constant 0 : i32
    %dma_start3A_59 = tpu.memref_slice %arg8[%dma_start3A_57, %dma_start3A_58] : memref<2000x64xf32, #tpu.memory_space<vmem_shared>> -> memref<2000x64xf32, #tpu.memory_space<vmem_shared>>
    %dma_start3A_60 = tpu.memref_slice %arg15[%dma_start3A_50] : memref<4x!tpu.dma_semaphore, #tpu.memory_space<semaphore_mem>> -> memref<1x!tpu.dma_semaphore, #tpu.memory_space<semaphore_mem>>
    %dma_start3A_61 = tpu.memref_squeeze %dma_start3A_60 : memref<1x!tpu.dma_semaphore, #tpu.memory_space<semaphore_mem>> -> memref<!tpu.dma_semaphore, #tpu.memory_space<semaphore_mem>>
    tpu.enqueue_indirect_dma source(%dma_start3A_59 : memref<2000x64xf32, #tpu.memory_space<vmem_shared>>) target(%dma_start3A_53 : memref<128x64xf32, #tpu.memory_space<vmem>>) offsets(%dma_start3A_56 : memref<128xi32, #tpu.memory_space<vmem>>) semaphore(%dma_start3A_61 : memref<!tpu.dma_semaphore, #tpu.memory_space<semaphore_mem>>)
    %dma_start3A_62 = arith.constant 1 : i32
    %dma_start3A_63 = arith.constant 1 : i32
    %dma_start3A_64 = arith.constant 128 : i32
    %dma_start3A_65 = arith.constant 0 : i32
    %dma_start3A_66 = tpu.memref_slice %arg13[%dma_start3A_64, %dma_start3A_65] : memref<512x64xf32, #tpu.memory_space<vmem>> -> memref<128x64xf32, #tpu.memory_space<vmem>>
    %dma_start3A_67 = arith.constant 0 : i32
    %dma_start3A_68 = tpu.memref_slice %arg10[%dma_start3A_62, %dma_start3A_67] : memref<4x128xi32, #tpu.memory_space<vmem>> -> memref<1x128xi32, #tpu.memory_space<vmem>>
    %dma_start3A_69 = tpu.memref_squeeze %dma_start3A_68 : memref<1x128xi32, #tpu.memory_space<vmem>> -> memref<128xi32, #tpu.memory_space<vmem>>
    %dma_start3A_70 = arith.constant 0 : i32
    %dma_start3A_71 = arith.constant 0 : i32
    %dma_start3A_72 = tpu.memref_slice %arg8[%dma_start3A_70, %dma_start3A_71] : memref<2000x64xf32, #tpu.memory_space<vmem_shared>> -> memref<2000x64xf32, #tpu.memory_space<vmem_shared>>
    %dma_start3A_73 = tpu.memref_slice %arg15[%dma_start3A_63] : memref<4x!tpu.dma_semaphore, #tpu.memory_space<semaphore_mem>> -> memref<1x!tpu.dma_semaphore, #tpu.memory_space<semaphore_mem>>
    %dma_start3A_74 = tpu.memref_squeeze %dma_start3A_73 : memref<1x!tpu.dma_semaphore, #tpu.memory_space<semaphore_mem>> -> memref<!tpu.dma_semaphore, #tpu.memory_space<semaphore_mem>>
    tpu.enqueue_indirect_dma source(%dma_start3A_72 : memref<2000x64xf32, #tpu.memory_space<vmem_shared>>) target(%dma_start3A_66 : memref<128x64xf32, #tpu.memory_space<vmem>>) offsets(%dma_start3A_69 : memref<128xi32, #tpu.memory_space<vmem>>) semaphore(%dma_start3A_74 : memref<!tpu.dma_semaphore, #tpu.memory_space<semaphore_mem>>)
    %dma_start3A_75 = arith.constant 1 : i32
    %dma_start3A_76 = arith.constant 1 : i32
    %dma_start3A_77 = arith.constant 128 : i32
    %dma_start3A_78 = arith.constant 0 : i32
    %dma_start3A_79 = tpu.memref_slice %arg14[%dma_start3A_77, %dma_start3A_78] : memref<512x64xf32, #tpu.memory_space<vmem>> -> memref<128x64xf32, #tpu.memory_space<vmem>>
    %dma_start3A_80 = arith.constant 0 : i32
    %dma_start3A_81 = tpu.memref_slice %arg11[%dma_start3A_75, %dma_start3A_80] : memref<4x128xi32, #tpu.memory_space<vmem>> -> memref<1x128xi32, #tpu.memory_space<vmem>>
    %dma_start3A_82 = tpu.memref_squeeze %dma_start3A_81 : memref<1x128xi32, #tpu.memory_space<vmem>> -> memref<128xi32, #tpu.memory_space<vmem>>
    %dma_start3A_83 = arith.constant 0 : i32
    %dma_start3A_84 = arith.constant 0 : i32
    %dma_start3A_85 = tpu.memref_slice %arg8[%dma_start3A_83, %dma_start3A_84] : memref<2000x64xf32, #tpu.memory_space<vmem_shared>> -> memref<2000x64xf32, #tpu.memory_space<vmem_shared>>
    %dma_start3A_86 = tpu.memref_slice %arg15[%dma_start3A_76] : memref<4x!tpu.dma_semaphore, #tpu.memory_space<semaphore_mem>> -> memref<1x!tpu.dma_semaphore, #tpu.memory_space<semaphore_mem>>
    %dma_start3A_87 = tpu.memref_squeeze %dma_start3A_86 : memref<1x!tpu.dma_semaphore, #tpu.memory_space<semaphore_mem>> -> memref<!tpu.dma_semaphore, #tpu.memory_space<semaphore_mem>>
    tpu.enqueue_indirect_dma source(%dma_start3A_85 : memref<2000x64xf32, #tpu.memory_space<vmem_shared>>) target(%dma_start3A_79 : memref<128x64xf32, #tpu.memory_space<vmem>>) offsets(%dma_start3A_82 : memref<128xi32, #tpu.memory_space<vmem>>) semaphore(%dma_start3A_87 : memref<!tpu.dma_semaphore, #tpu.memory_space<semaphore_mem>>)
    %dma_start3A_88 = arith.constant 2 : i32
    %dma_start3A_89 = arith.constant 2 : i32
    %dma_start3A_90 = arith.constant 256 : i32
    %dma_start3A_91 = arith.constant 0 : i32
    %dma_start3A_92 = tpu.memref_slice %arg12[%dma_start3A_90, %dma_start3A_91] : memref<512x64xf32, #tpu.memory_space<vmem>> -> memref<128x64xf32, #tpu.memory_space<vmem>>
    %dma_start3A_93 = arith.constant 0 : i32
    %dma_start3A_94 = tpu.memref_slice %arg9[%dma_start3A_88, %dma_start3A_93] : memref<4x128xi32, #tpu.memory_space<vmem>> -> memref<1x128xi32, #tpu.memory_space<vmem>>
    %dma_start3A_95 = tpu.memref_squeeze %dma_start3A_94 : memref<1x128xi32, #tpu.memory_space<vmem>> -> memref<128xi32, #tpu.memory_space<vmem>>
    %dma_start3A_96 = arith.constant 0 : i32
    %dma_start3A_97 = arith.constant 0 : i32
    %dma_start3A_98 = tpu.memref_slice %arg8[%dma_start3A_96, %dma_start3A_97] : memref<2000x64xf32, #tpu.memory_space<vmem_shared>> -> memref<2000x64xf32, #tpu.memory_space<vmem_shared>>
    %dma_start3A_99 = tpu.memref_slice %arg15[%dma_start3A_89] : memref<4x!tpu.dma_semaphore, #tpu.memory_space<semaphore_mem>> -> memref<1x!tpu.dma_semaphore, #tpu.memory_space<semaphore_mem>>
    %dma_start3A_100 = tpu.memref_squeeze %dma_start3A_99 : memref<1x!tpu.dma_semaphore, #tpu.memory_space<semaphore_mem>> -> memref<!tpu.dma_semaphore, #tpu.memory_space<semaphore_mem>>
    tpu.enqueue_indirect_dma source(%dma_start3A_98 : memref<2000x64xf32, #tpu.memory_space<vmem_shared>>) target(%dma_start3A_92 : memref<128x64xf32, #tpu.memory_space<vmem>>) offsets(%dma_start3A_95 : memref<128xi32, #tpu.memory_space<vmem>>) semaphore(%dma_start3A_100 : memref<!tpu.dma_semaphore, #tpu.memory_space<semaphore_mem>>)
    %dma_start3A_101 = arith.constant 2 : i32
    %dma_start3A_102 = arith.constant 2 : i32
    %dma_start3A_103 = arith.constant 256 : i32
    %dma_start3A_104 = arith.constant 0 : i32
    %dma_start3A_105 = tpu.memref_slice %arg13[%dma_start3A_103, %dma_start3A_104] : memref<512x64xf32, #tpu.memory_space<vmem>> -> memref<128x64xf32, #tpu.memory_space<vmem>>
    %dma_start3A_106 = arith.constant 0 : i32
    %dma_start3A_107 = tpu.memref_slice %arg10[%dma_start3A_101, %dma_start3A_106] : memref<4x128xi32, #tpu.memory_space<vmem>> -> memref<1x128xi32, #tpu.memory_space<vmem>>
    %dma_start3A_108 = tpu.memref_squeeze %dma_start3A_107 : memref<1x128xi32, #tpu.memory_space<vmem>> -> memref<128xi32, #tpu.memory_space<vmem>>
    %dma_start3A_109 = arith.constant 0 : i32
    %dma_start3A_110 = arith.constant 0 : i32
    %dma_start3A_111 = tpu.memref_slice %arg8[%dma_start3A_109, %dma_start3A_110] : memref<2000x64xf32, #tpu.memory_space<vmem_shared>> -> memref<2000x64xf32, #tpu.memory_space<vmem_shared>>
    %dma_start3A_112 = tpu.memref_slice %arg15[%dma_start3A_102] : memref<4x!tpu.dma_semaphore, #tpu.memory_space<semaphore_mem>> -> memref<1x!tpu.dma_semaphore, #tpu.memory_space<semaphore_mem>>
    %dma_start3A_113 = tpu.memref_squeeze %dma_start3A_112 : memref<1x!tpu.dma_semaphore, #tpu.memory_space<semaphore_mem>> -> memref<!tpu.dma_semaphore, #tpu.memory_space<semaphore_mem>>
    tpu.enqueue_indirect_dma source(%dma_start3A_111 : memref<2000x64xf32, #tpu.memory_space<vmem_shared>>) target(%dma_start3A_105 : memref<128x64xf32, #tpu.memory_space<vmem>>) offsets(%dma_start3A_108 : memref<128xi32, #tpu.memory_space<vmem>>) semaphore(%dma_start3A_113 : memref<!tpu.dma_semaphore, #tpu.memory_space<semaphore_mem>>)
    %dma_start3A_114 = arith.constant 2 : i32
    %dma_start3A_115 = arith.constant 2 : i32
    %dma_start3A_116 = arith.constant 256 : i32
    %dma_start3A_117 = arith.constant 0 : i32
    %dma_start3A_118 = tpu.memref_slice %arg14[%dma_start3A_116, %dma_start3A_117] : memref<512x64xf32, #tpu.memory_space<vmem>> -> memref<128x64xf32, #tpu.memory_space<vmem>>
    %dma_start3A_119 = arith.constant 0 : i32
    %dma_start3A_120 = tpu.memref_slice %arg11[%dma_start3A_114, %dma_start3A_119] : memref<4x128xi32, #tpu.memory_space<vmem>> -> memref<1x128xi32, #tpu.memory_space<vmem>>
    %dma_start3A_121 = tpu.memref_squeeze %dma_start3A_120 : memref<1x128xi32, #tpu.memory_space<vmem>> -> memref<128xi32, #tpu.memory_space<vmem>>
    %dma_start3A_122 = arith.constant 0 : i32
    %dma_start3A_123 = arith.constant 0 : i32
    %dma_start3A_124 = tpu.memref_slice %arg8[%dma_start3A_122, %dma_start3A_123] : memref<2000x64xf32, #tpu.memory_space<vmem_shared>> -> memref<2000x64xf32, #tpu.memory_space<vmem_shared>>
    %dma_start3A_125 = tpu.memref_slice %arg15[%dma_start3A_115] : memref<4x!tpu.dma_semaphore, #tpu.memory_space<semaphore_mem>> -> memref<1x!tpu.dma_semaphore, #tpu.memory_space<semaphore_mem>>
    %dma_start3A_126 = tpu.memref_squeeze %dma_start3A_125 : memref<1x!tpu.dma_semaphore, #tpu.memory_space<semaphore_mem>> -> memref<!tpu.dma_semaphore, #tpu.memory_space<semaphore_mem>>
    tpu.enqueue_indirect_dma source(%dma_start3A_124 : memref<2000x64xf32, #tpu.memory_space<vmem_shared>>) target(%dma_start3A_118 : memref<128x64xf32, #tpu.memory_space<vmem>>) offsets(%dma_start3A_121 : memref<128xi32, #tpu.memory_space<vmem>>) semaphore(%dma_start3A_126 : memref<!tpu.dma_semaphore, #tpu.memory_space<semaphore_mem>>)
    %dma_start3A_127 = arith.constant 3 : i32
    %dma_start3A_128 = arith.constant 3 : i32
    %dma_start3A_129 = arith.constant 384 : i32
    %dma_start3A_130 = arith.constant 0 : i32
    %dma_start3A_131 = tpu.memref_slice %arg12[%dma_start3A_129, %dma_start3A_130] : memref<512x64xf32, #tpu.memory_space<vmem>> -> memref<128x64xf32, #tpu.memory_space<vmem>>
    %dma_start3A_132 = arith.constant 0 : i32
    %dma_start3A_133 = tpu.memref_slice %arg9[%dma_start3A_127, %dma_start3A_132] : memref<4x128xi32, #tpu.memory_space<vmem>> -> memref<1x128xi32, #tpu.memory_space<vmem>>
    %dma_start3A_134 = tpu.memref_squeeze %dma_start3A_133 : memref<1x128xi32, #tpu.memory_space<vmem>> -> memref<128xi32, #tpu.memory_space<vmem>>
    %dma_start3A_135 = arith.constant 0 : i32
    %dma_start3A_136 = arith.constant 0 : i32
    %dma_start3A_137 = tpu.memref_slice %arg8[%dma_start3A_135, %dma_start3A_136] : memref<2000x64xf32, #tpu.memory_space<vmem_shared>> -> memref<2000x64xf32, #tpu.memory_space<vmem_shared>>
    %dma_start3A_138 = tpu.memref_slice %arg15[%dma_start3A_128] : memref<4x!tpu.dma_semaphore, #tpu.memory_space<semaphore_mem>> -> memref<1x!tpu.dma_semaphore, #tpu.memory_space<semaphore_mem>>
    %dma_start3A_139 = tpu.memref_squeeze %dma_start3A_138 : memref<1x!tpu.dma_semaphore, #tpu.memory_space<semaphore_mem>> -> memref<!tpu.dma_semaphore, #tpu.memory_space<semaphore_mem>>
    tpu.enqueue_indirect_dma source(%dma_start3A_137 : memref<2000x64xf32, #tpu.memory_space<vmem_shared>>) target(%dma_start3A_131 : memref<128x64xf32, #tpu.memory_space<vmem>>) offsets(%dma_start3A_134 : memref<128xi32, #tpu.memory_space<vmem>>) semaphore(%dma_start3A_139 : memref<!tpu.dma_semaphore, #tpu.memory_space<semaphore_mem>>)
    %dma_start3A_140 = arith.constant 3 : i32
    %dma_start3A_141 = arith.constant 3 : i32
    %dma_start3A_142 = arith.constant 384 : i32
    %dma_start3A_143 = arith.constant 0 : i32
    %dma_start3A_144 = tpu.memref_slice %arg13[%dma_start3A_142, %dma_start3A_143] : memref<512x64xf32, #tpu.memory_space<vmem>> -> memref<128x64xf32, #tpu.memory_space<vmem>>
    %dma_start3A_145 = arith.constant 0 : i32
    %dma_start3A_146 = tpu.memref_slice %arg10[%dma_start3A_140, %dma_start3A_145] : memref<4x128xi32, #tpu.memory_space<vmem>> -> memref<1x128xi32, #tpu.memory_space<vmem>>
    %dma_start3A_147 = tpu.memref_squeeze %dma_start3A_146 : memref<1x128xi32, #tpu.memory_space<vmem>> -> memref<128xi32, #tpu.memory_space<vmem>>
    %dma_start3A_148 = arith.constant 0 : i32
    %dma_start3A_149 = arith.constant 0 : i32
    %dma_start3A_150 = tpu.memref_slice %arg8[%dma_start3A_148, %dma_start3A_149] : memref<2000x64xf32, #tpu.memory_space<vmem_shared>> -> memref<2000x64xf32, #tpu.memory_space<vmem_shared>>
    %dma_start3A_151 = tpu.memref_slice %arg15[%dma_start3A_141] : memref<4x!tpu.dma_semaphore, #tpu.memory_space<semaphore_mem>> -> memref<1x!tpu.dma_semaphore, #tpu.memory_space<semaphore_mem>>
    %dma_start3A_152 = tpu.memref_squeeze %dma_start3A_151 : memref<1x!tpu.dma_semaphore, #tpu.memory_space<semaphore_mem>> -> memref<!tpu.dma_semaphore, #tpu.memory_space<semaphore_mem>>
    tpu.enqueue_indirect_dma source(%dma_start3A_150 : memref<2000x64xf32, #tpu.memory_space<vmem_shared>>) target(%dma_start3A_144 : memref<128x64xf32, #tpu.memory_space<vmem>>) offsets(%dma_start3A_147 : memref<128xi32, #tpu.memory_space<vmem>>) semaphore(%dma_start3A_152 : memref<!tpu.dma_semaphore, #tpu.memory_space<semaphore_mem>>)
    %dma_start3A_153 = arith.constant 3 : i32
    %dma_start3A_154 = arith.constant 3 : i32
    %dma_start3A_155 = arith.constant 384 : i32
    %dma_start3A_156 = arith.constant 0 : i32
    %dma_start3A_157 = tpu.memref_slice %arg14[%dma_start3A_155, %dma_start3A_156] : memref<512x64xf32, #tpu.memory_space<vmem>> -> memref<128x64xf32, #tpu.memory_space<vmem>>
    %dma_start3A_158 = arith.constant 0 : i32
    %dma_start3A_159 = tpu.memref_slice %arg11[%dma_start3A_153, %dma_start3A_158] : memref<4x128xi32, #tpu.memory_space<vmem>> -> memref<1x128xi32, #tpu.memory_space<vmem>>
    %dma_start3A_160 = tpu.memref_squeeze %dma_start3A_159 : memref<1x128xi32, #tpu.memory_space<vmem>> -> memref<128xi32, #tpu.memory_space<vmem>>
    %dma_start3A_161 = arith.constant 0 : i32
    %dma_start3A_162 = arith.constant 0 : i32
    %dma_start3A_163 = tpu.memref_slice %arg8[%dma_start3A_161, %dma_start3A_162] : memref<2000x64xf32, #tpu.memory_space<vmem_shared>> -> memref<2000x64xf32, #tpu.memory_space<vmem_shared>>
    %dma_start3A_164 = tpu.memref_slice %arg15[%dma_start3A_154] : memref<4x!tpu.dma_semaphore, #tpu.memory_space<semaphore_mem>> -> memref<1x!tpu.dma_semaphore, #tpu.memory_space<semaphore_mem>>
    %dma_start3A_165 = tpu.memref_squeeze %dma_start3A_164 : memref<1x!tpu.dma_semaphore, #tpu.memory_space<semaphore_mem>> -> memref<!tpu.dma_semaphore, #tpu.memory_space<semaphore_mem>>
    tpu.enqueue_indirect_dma source(%dma_start3A_163 : memref<2000x64xf32, #tpu.memory_space<vmem_shared>>) target(%dma_start3A_157 : memref<128x64xf32, #tpu.memory_space<vmem>>) offsets(%dma_start3A_160 : memref<128xi32, #tpu.memory_space<vmem>>) semaphore(%dma_start3A_165 : memref<!tpu.dma_semaphore, #tpu.memory_space<semaphore_mem>>)
    %dma_wait3A = arith.constant 0 : i32
    %dma_wait3A_166 = arith.constant 0 : i32
    %dma_wait3A_167 = arith.constant 0 : i32
    %dma_wait3A_168 = arith.constant 0 : i32
    %dma_wait3A_169 = tpu.memref_slice %arg12[%dma_wait3A_167, %dma_wait3A_168] : memref<512x64xf32, #tpu.memory_space<vmem>> -> memref<128x64xf32, #tpu.memory_space<vmem>>
    %dma_wait3A_170 = arith.constant 0 : i32
    %dma_wait3A_171 = tpu.memref_slice %arg9[%dma_wait3A, %dma_wait3A_170] : memref<4x128xi32, #tpu.memory_space<vmem>> -> memref<1x128xi32, #tpu.memory_space<vmem>>
    %dma_wait3A_172 = tpu.memref_squeeze %dma_wait3A_171 : memref<1x128xi32, #tpu.memory_space<vmem>> -> memref<128xi32, #tpu.memory_space<vmem>>
    %dma_wait3A_173 = arith.constant 0 : i32
    %dma_wait3A_174 = arith.constant 0 : i32
    %dma_wait3A_175 = tpu.memref_slice %arg8[%dma_wait3A_173, %dma_wait3A_174] : memref<2000x64xf32, #tpu.memory_space<vmem_shared>> -> memref<2000x64xf32, #tpu.memory_space<vmem_shared>>
    %dma_wait3A_176 = tpu.memref_slice %arg15[%dma_wait3A_166] : memref<4x!tpu.dma_semaphore, #tpu.memory_space<semaphore_mem>> -> memref<1x!tpu.dma_semaphore, #tpu.memory_space<semaphore_mem>>
    %dma_wait3A_177 = tpu.memref_squeeze %dma_wait3A_176 : memref<1x!tpu.dma_semaphore, #tpu.memory_space<semaphore_mem>> -> memref<!tpu.dma_semaphore, #tpu.memory_space<semaphore_mem>>
    tpu.wait_indirect_dma semaphore(%dma_wait3A_177 : memref<!tpu.dma_semaphore, #tpu.memory_space<semaphore_mem>>) src(%dma_wait3A_175 : memref<2000x64xf32, #tpu.memory_space<vmem_shared>>) dst(%dma_wait3A_169 : memref<128x64xf32, #tpu.memory_space<vmem>>)
    %dma_wait3A_178 = arith.constant 0 : i32
    %dma_wait3A_179 = arith.constant 0 : i32
    %dma_wait3A_180 = arith.constant 0 : i32
    %dma_wait3A_181 = arith.constant 0 : i32
    %dma_wait3A_182 = tpu.memref_slice %arg13[%dma_wait3A_180, %dma_wait3A_181] : memref<512x64xf32, #tpu.memory_space<vmem>> -> memref<128x64xf32, #tpu.memory_space<vmem>>
    %dma_wait3A_183 = arith.constant 0 : i32
    %dma_wait3A_184 = tpu.memref_slice %arg10[%dma_wait3A_178, %dma_wait3A_183] : memref<4x128xi32, #tpu.memory_space<vmem>> -> memref<1x128xi32, #tpu.memory_space<vmem>>
    %dma_wait3A_185 = tpu.memref_squeeze %dma_wait3A_184 : memref<1x128xi32, #tpu.memory_space<vmem>> -> memref<128xi32, #tpu.memory_space<vmem>>
    %dma_wait3A_186 = arith.constant 0 : i32
    %dma_wait3A_187 = arith.constant 0 : i32
    %dma_wait3A_188 = tpu.memref_slice %arg8[%dma_wait3A_186, %dma_wait3A_187] : memref<2000x64xf32, #tpu.memory_space<vmem_shared>> -> memref<2000x64xf32, #tpu.memory_space<vmem_shared>>
    %dma_wait3A_189 = tpu.memref_slice %arg15[%dma_wait3A_179] : memref<4x!tpu.dma_semaphore, #tpu.memory_space<semaphore_mem>> -> memref<1x!tpu.dma_semaphore, #tpu.memory_space<semaphore_mem>>
    %dma_wait3A_190 = tpu.memref_squeeze %dma_wait3A_189 : memref<1x!tpu.dma_semaphore, #tpu.memory_space<semaphore_mem>> -> memref<!tpu.dma_semaphore, #tpu.memory_space<semaphore_mem>>
    tpu.wait_indirect_dma semaphore(%dma_wait3A_190 : memref<!tpu.dma_semaphore, #tpu.memory_space<semaphore_mem>>) src(%dma_wait3A_188 : memref<2000x64xf32, #tpu.memory_space<vmem_shared>>) dst(%dma_wait3A_182 : memref<128x64xf32, #tpu.memory_space<vmem>>)
    %dma_wait3A_191 = arith.constant 0 : i32
    %dma_wait3A_192 = arith.constant 0 : i32
    %dma_wait3A_193 = arith.constant 0 : i32
    %dma_wait3A_194 = arith.constant 0 : i32
    %dma_wait3A_195 = tpu.memref_slice %arg14[%dma_wait3A_193, %dma_wait3A_194] : memref<512x64xf32, #tpu.memory_space<vmem>> -> memref<128x64xf32, #tpu.memory_space<vmem>>
    %dma_wait3A_196 = arith.constant 0 : i32
    %dma_wait3A_197 = tpu.memref_slice %arg11[%dma_wait3A_191, %dma_wait3A_196] : memref<4x128xi32, #tpu.memory_space<vmem>> -> memref<1x128xi32, #tpu.memory_space<vmem>>
    %dma_wait3A_198 = tpu.memref_squeeze %dma_wait3A_197 : memref<1x128xi32, #tpu.memory_space<vmem>> -> memref<128xi32, #tpu.memory_space<vmem>>
    %dma_wait3A_199 = arith.constant 0 : i32
    %dma_wait3A_200 = arith.constant 0 : i32
    %dma_wait3A_201 = tpu.memref_slice %arg8[%dma_wait3A_199, %dma_wait3A_200] : memref<2000x64xf32, #tpu.memory_space<vmem_shared>> -> memref<2000x64xf32, #tpu.memory_space<vmem_shared>>
    %dma_wait3A_202 = tpu.memref_slice %arg15[%dma_wait3A_192] : memref<4x!tpu.dma_semaphore, #tpu.memory_space<semaphore_mem>> -> memref<1x!tpu.dma_semaphore, #tpu.memory_space<semaphore_mem>>
    %dma_wait3A_203 = tpu.memref_squeeze %dma_wait3A_202 : memref<1x!tpu.dma_semaphore, #tpu.memory_space<semaphore_mem>> -> memref<!tpu.dma_semaphore, #tpu.memory_space<semaphore_mem>>
    tpu.wait_indirect_dma semaphore(%dma_wait3A_203 : memref<!tpu.dma_semaphore, #tpu.memory_space<semaphore_mem>>) src(%dma_wait3A_201 : memref<2000x64xf32, #tpu.memory_space<vmem_shared>>) dst(%dma_wait3A_195 : memref<128x64xf32, #tpu.memory_space<vmem>>)
    %parallel_loop3A = arith.constant 0 : i32
    %parallel_loop3A_204 = arith.constant 512 : i32
    %parallel_loop3A_205 = arith.constant 1 : i32
    scf.for %parallel_loop3A_420 = %parallel_loop3A to %parallel_loop3A_204 step %parallel_loop3A_205  : i32 {
      %parallel_loop3A_421 = arith.constant 4 : i32
      %parallel_loop3A_422 = arith.divsi %parallel_loop3A_420, %parallel_loop3A_421 : i32
      %parallel_loop3A_423 = arith.constant 0 : i32
      %parallel_loop3A_424 = arith.cmpi sgt, %parallel_loop3A_420, %parallel_loop3A_423 : i32
      %parallel_loop3A_425 = arith.extui %parallel_loop3A_424 : i1 to i32
      %parallel_loop3A_426 = arith.constant 0 : i32
      %parallel_loop3A_427 = arith.cmpi slt, %parallel_loop3A_420, %parallel_loop3A_426 : i32
      %parallel_loop3A_428 = arith.extui %parallel_loop3A_427 : i1 to i32
      %parallel_loop3A_429 = arith.subi %parallel_loop3A_425, %parallel_loop3A_428 : i32
      %parallel_loop3A_430 = arith.constant 0 : i32
      %parallel_loop3A_431 = arith.cmpi sgt, %parallel_loop3A_421, %parallel_loop3A_430 : i32
      %parallel_loop3A_432 = arith.extui %parallel_loop3A_431 : i1 to i32
      %parallel_loop3A_433 = arith.constant 0 : i32
      %parallel_loop3A_434 = arith.cmpi slt, %parallel_loop3A_421, %parallel_loop3A_433 : i32
      %parallel_loop3A_435 = arith.extui %parallel_loop3A_434 : i1 to i32
      %parallel_loop3A_436 = arith.subi %parallel_loop3A_432, %parallel_loop3A_435 : i32
      %parallel_loop3A_437 = arith.cmpi ne, %parallel_loop3A_429, %parallel_loop3A_436 : i32
      %parallel_loop3A_438 = arith.remsi %parallel_loop3A_420, %parallel_loop3A_421 : i32
      %parallel_loop3A_439 = arith.constant 0 : i32
      %parallel_loop3A_440 = arith.cmpi ne, %parallel_loop3A_438, %parallel_loop3A_439 : i32
      %parallel_loop3A_441 = arith.andi %parallel_loop3A_437, %parallel_loop3A_440 : i1
      %parallel_loop3A_442 = arith.constant 1 : i32
      %parallel_loop3A_443 = arith.subi %parallel_loop3A_422, %parallel_loop3A_442 : i32
      %parallel_loop3A_444 = arith.select %parallel_loop3A_441, %parallel_loop3A_443, %parallel_loop3A_422 : i32
      %parallel_loop3A_445 = arith.constant 4 : i32
      %parallel_loop3A_446 = arith.constant 0 : i32
      %parallel_loop3A_447 = arith.cmpi eq, %parallel_loop3A_445, %parallel_loop3A_446 : i32
      %parallel_loop3A_448 = arith.constant 1 : i32
      %parallel_loop3A_449 = arith.select %parallel_loop3A_447, %parallel_loop3A_448, %parallel_loop3A_445 : i32
      %parallel_loop3A_450 = arith.remsi %parallel_loop3A_420, %parallel_loop3A_449 : i32
      %parallel_loop3A_451 = arith.constant 0 : i32
      %parallel_loop3A_452 = arith.cmpi ne, %parallel_loop3A_450, %parallel_loop3A_451 : i32
      %parallel_loop3A_453 = arith.constant 0 : i32
      %parallel_loop3A_454 = arith.cmpi slt, %parallel_loop3A_450, %parallel_loop3A_453 : i32
      %parallel_loop3A_455 = arith.constant 0 : i32
      %parallel_loop3A_456 = arith.cmpi slt, %parallel_loop3A_449, %parallel_loop3A_455 : i32
      %parallel_loop3A_457 = arith.xori %parallel_loop3A_454, %parallel_loop3A_456 : i1
      %parallel_loop3A_458 = arith.andi %parallel_loop3A_457, %parallel_loop3A_452 : i1
      %parallel_loop3A_459 = arith.addi %parallel_loop3A_450, %parallel_loop3A_449 : i32
      %parallel_loop3A_460 = arith.select %parallel_loop3A_458, %parallel_loop3A_459, %parallel_loop3A_450 : i32
      %parallel_loop3A_461 = arith.constant 16 : i32
      %parallel_loop3A_462 = arith.muli %parallel_loop3A_460, %parallel_loop3A_461 : i32
      %parallel_loop3A_463 = arith.index_cast %parallel_loop3A_444 : i32 to index
      %parallel_loop3A_464 = arith.index_cast %parallel_loop3A_462 : i32 to index
      %parallel_loop3A_465 = tpu.vector_load %arg12[%parallel_loop3A_463, %parallel_loop3A_464] {strides = array<i32>} : memref<512x64xf32, #tpu.memory_space<vmem>>, vector<1x16xf32>,
      %parallel_loop3A_466 = vector.shape_cast %parallel_loop3A_465 : vector<1x16xf32> to vector<16xf32>
      %parallel_loop3A_467 = arith.index_cast %parallel_loop3A_444 : i32 to index
      %parallel_loop3A_468 = arith.index_cast %parallel_loop3A_462 : i32 to index
      %parallel_loop3A_469 = tpu.vector_load %arg13[%parallel_loop3A_467, %parallel_loop3A_468] {strides = array<i32>} : memref<512x64xf32, #tpu.memory_space<vmem>>, vector<1x16xf32>,
      %parallel_loop3A_470 = vector.shape_cast %parallel_loop3A_469 : vector<1x16xf32> to vector<16xf32>
      %parallel_loop3A_471 = arith.subf %parallel_loop3A_466, %parallel_loop3A_470 : vector<16xf32>
      %parallel_loop3A_472 = arith.index_cast %parallel_loop3A_444 : i32 to index
      %parallel_loop3A_473 = arith.index_cast %parallel_loop3A_462 : i32 to index
      %parallel_loop3A_474 = tpu.vector_load %arg14[%parallel_loop3A_472, %parallel_loop3A_473] {strides = array<i32>} : memref<512x64xf32, #tpu.memory_space<vmem>>, vector<1x16xf32>,
      %parallel_loop3A_475 = vector.shape_cast %parallel_loop3A_474 : vector<1x16xf32> to vector<16xf32>
      %parallel_loop3A_476 = arith.addf %parallel_loop3A_471, %parallel_loop3A_475 : vector<16xf32>
      %parallel_loop3A_477 = arith.index_cast %parallel_loop3A_444 : i32 to index
      %parallel_loop3A_478 = arith.index_cast %parallel_loop3A_462 : i32 to index
      %parallel_loop3A_479 = tpu.vector_load %arg12[%parallel_loop3A_477, %parallel_loop3A_478] {strides = array<i32>} : memref<512x64xf32, #tpu.memory_space<vmem>>, vector<1x16xf32>,
      %parallel_loop3A_480 = vector.shape_cast %parallel_loop3A_479 : vector<1x16xf32> to vector<16xf32>
      %parallel_loop3A_481 = vector.shape_cast %parallel_loop3A_476 : vector<16xf32> to vector<1x16xf32>
      tpu.vector_store %arg12[%parallel_loop3A_477, %parallel_loop3A_478], %parallel_loop3A_481 {strides = array<i32>} : memref<512x64xf32, #tpu.memory_space<vmem>>, vector<1x16xf32>,
    } {sc.loop_unroll_factor = 4 : i64, sc.parallel_access}
    %add3A_206 = arith.constant 0 : i32
    %add3A_207 = arith.addi %mul3A_2, %add3A_206 : i32
    %dma_start3A_208 = arith.constant 0 : i32
    %dma_start3A_209 = arith.constant 0 : i32
    %dma_start3A_210 = tpu.memref_slice %arg12[%dma_start3A_208, %dma_start3A_209] : memref<512x64xf32, #tpu.memory_space<vmem>> -> memref<128x64xf32, #tpu.memory_space<vmem>>
    %dma_start3A_211 = arith.constant 0 : i32
    %dma_start3A_212 = tpu.memref_slice %arg7[%add3A_207, %dma_start3A_211] : memref<16384x64xf32, #tpu.memory_space<hbm>> -> memref<128x64xf32, #tpu.memory_space<hbm>>
    %dma_start3A_213 = arith.constant 0 : i32
    %dma_start3A_214 = tpu.memref_slice %arg7[%add3A_207, %dma_start3A_213] : memref<16384x64xf32, #tpu.memory_space<hbm>> -> memref<128x64xf32, #tpu.memory_space<hbm>>
    %dma_start3A_215 = arith.constant 0 : i32
    %dma_start3A_216 = arith.constant 0 : i32
    %dma_start3A_217 = tpu.memref_slice %arg12[%dma_start3A_215, %dma_start3A_216] : memref<512x64xf32, #tpu.memory_space<vmem>> -> memref<128x64xf32, #tpu.memory_space<vmem>>
    tpu.enqueue_dma source(%dma_start3A_217 : memref<128x64xf32, #tpu.memory_space<vmem>>) target(%dma_start3A_214 : memref<128x64xf32, #tpu.memory_space<hbm>>) target_semaphore(%arg16 : memref<!tpu.dma_semaphore, #tpu.memory_space<semaphore_mem>>)
    %dma_wait3A_218 = arith.constant 1 : i32
    %dma_wait3A_219 = arith.constant 1 : i32
    %dma_wait3A_220 = arith.constant 128 : i32
    %dma_wait3A_221 = arith.constant 0 : i32
    %dma_wait3A_222 = tpu.memref_slice %arg12[%dma_wait3A_220, %dma_wait3A_221] : memref<512x64xf32, #tpu.memory_space<vmem>> -> memref<128x64xf32, #tpu.memory_space<vmem>>
    %dma_wait3A_223 = arith.constant 0 : i32
    %dma_wait3A_224 = tpu.memref_slice %arg9[%dma_wait3A_218, %dma_wait3A_223] : memref<4x128xi32, #tpu.memory_space<vmem>> -> memref<1x128xi32, #tpu.memory_space<vmem>>
    %dma_wait3A_225 = tpu.memref_squeeze %dma_wait3A_224 : memref<1x128xi32, #tpu.memory_space<vmem>> -> memref<128xi32, #tpu.memory_space<vmem>>
    %dma_wait3A_226 = arith.constant 0 : i32
    %dma_wait3A_227 = arith.constant 0 : i32
    %dma_wait3A_228 = tpu.memref_slice %arg8[%dma_wait3A_226, %dma_wait3A_227] : memref<2000x64xf32, #tpu.memory_space<vmem_shared>> -> memref<2000x64xf32, #tpu.memory_space<vmem_shared>>
    %dma_wait3A_229 = tpu.memref_slice %arg15[%dma_wait3A_219] : memref<4x!tpu.dma_semaphore, #tpu.memory_space<semaphore_mem>> -> memref<1x!tpu.dma_semaphore, #tpu.memory_space<semaphore_mem>>
    %dma_wait3A_230 = tpu.memref_squeeze %dma_wait3A_229 : memref<1x!tpu.dma_semaphore, #tpu.memory_space<semaphore_mem>> -> memref<!tpu.dma_semaphore, #tpu.memory_space<semaphore_mem>>
    tpu.wait_indirect_dma semaphore(%dma_wait3A_230 : memref<!tpu.dma_semaphore, #tpu.memory_space<semaphore_mem>>) src(%dma_wait3A_228 : memref<2000x64xf32, #tpu.memory_space<vmem_shared>>) dst(%dma_wait3A_222 : memref<128x64xf32, #tpu.memory_space<vmem>>)
    %dma_wait3A_231 = arith.constant 1 : i32
    %dma_wait3A_232 = arith.constant 1 : i32
    %dma_wait3A_233 = arith.constant 128 : i32
    %dma_wait3A_234 = arith.constant 0 : i32
    %dma_wait3A_235 = tpu.memref_slice %arg13[%dma_wait3A_233, %dma_wait3A_234] : memref<512x64xf32, #tpu.memory_space<vmem>> -> memref<128x64xf32, #tpu.memory_space<vmem>>
    %dma_wait3A_236 = arith.constant 0 : i32
    %dma_wait3A_237 = tpu.memref_slice %arg10[%dma_wait3A_231, %dma_wait3A_236] : memref<4x128xi32, #tpu.memory_space<vmem>> -> memref<1x128xi32, #tpu.memory_space<vmem>>
    %dma_wait3A_238 = tpu.memref_squeeze %dma_wait3A_237 : memref<1x128xi32, #tpu.memory_space<vmem>> -> memref<128xi32, #tpu.memory_space<vmem>>
    %dma_wait3A_239 = arith.constant 0 : i32
    %dma_wait3A_240 = arith.constant 0 : i32
    %dma_wait3A_241 = tpu.memref_slice %arg8[%dma_wait3A_239, %dma_wait3A_240] : memref<2000x64xf32, #tpu.memory_space<vmem_shared>> -> memref<2000x64xf32, #tpu.memory_space<vmem_shared>>
    %dma_wait3A_242 = tpu.memref_slice %arg15[%dma_wait3A_232] : memref<4x!tpu.dma_semaphore, #tpu.memory_space<semaphore_mem>> -> memref<1x!tpu.dma_semaphore, #tpu.memory_space<semaphore_mem>>
    %dma_wait3A_243 = tpu.memref_squeeze %dma_wait3A_242 : memref<1x!tpu.dma_semaphore, #tpu.memory_space<semaphore_mem>> -> memref<!tpu.dma_semaphore, #tpu.memory_space<semaphore_mem>>
    tpu.wait_indirect_dma semaphore(%dma_wait3A_243 : memref<!tpu.dma_semaphore, #tpu.memory_space<semaphore_mem>>) src(%dma_wait3A_241 : memref<2000x64xf32, #tpu.memory_space<vmem_shared>>) dst(%dma_wait3A_235 : memref<128x64xf32, #tpu.memory_space<vmem>>)
    %dma_wait3A_244 = arith.constant 1 : i32
    %dma_wait3A_245 = arith.constant 1 : i32
    %dma_wait3A_246 = arith.constant 128 : i32
    %dma_wait3A_247 = arith.constant 0 : i32
    %dma_wait3A_248 = tpu.memref_slice %arg14[%dma_wait3A_246, %dma_wait3A_247] : memref<512x64xf32, #tpu.memory_space<vmem>> -> memref<128x64xf32, #tpu.memory_space<vmem>>
    %dma_wait3A_249 = arith.constant 0 : i32
    %dma_wait3A_250 = tpu.memref_slice %arg11[%dma_wait3A_244, %dma_wait3A_249] : memref<4x128xi32, #tpu.memory_space<vmem>> -> memref<1x128xi32, #tpu.memory_space<vmem>>
    %dma_wait3A_251 = tpu.memref_squeeze %dma_wait3A_250 : memref<1x128xi32, #tpu.memory_space<vmem>> -> memref<128xi32, #tpu.memory_space<vmem>>
    %dma_wait3A_252 = arith.constant 0 : i32
    %dma_wait3A_253 = arith.constant 0 : i32
    %dma_wait3A_254 = tpu.memref_slice %arg8[%dma_wait3A_252, %dma_wait3A_253] : memref<2000x64xf32, #tpu.memory_space<vmem_shared>> -> memref<2000x64xf32, #tpu.memory_space<vmem_shared>>
    %dma_wait3A_255 = tpu.memref_slice %arg15[%dma_wait3A_245] : memref<4x!tpu.dma_semaphore, #tpu.memory_space<semaphore_mem>> -> memref<1x!tpu.dma_semaphore, #tpu.memory_space<semaphore_mem>>
    %dma_wait3A_256 = tpu.memref_squeeze %dma_wait3A_255 : memref<1x!tpu.dma_semaphore, #tpu.memory_space<semaphore_mem>> -> memref<!tpu.dma_semaphore, #tpu.memory_space<semaphore_mem>>
    tpu.wait_indirect_dma semaphore(%dma_wait3A_256 : memref<!tpu.dma_semaphore, #tpu.memory_space<semaphore_mem>>) src(%dma_wait3A_254 : memref<2000x64xf32, #tpu.memory_space<vmem_shared>>) dst(%dma_wait3A_248 : memref<128x64xf32, #tpu.memory_space<vmem>>)
    %parallel_loop3A_257 = arith.constant 512 : i32
    %parallel_loop3A_258 = arith.constant 1024 : i32
    %parallel_loop3A_259 = arith.constant 1 : i32
    scf.for %parallel_loop3A_420 = %parallel_loop3A_257 to %parallel_loop3A_258 step %parallel_loop3A_259  : i32 {
      %parallel_loop3A_421 = arith.constant 4 : i32
      %parallel_loop3A_422 = arith.divsi %parallel_loop3A_420, %parallel_loop3A_421 : i32
      %parallel_loop3A_423 = arith.constant 0 : i32
      %parallel_loop3A_424 = arith.cmpi sgt, %parallel_loop3A_420, %parallel_loop3A_423 : i32
      %parallel_loop3A_425 = arith.extui %parallel_loop3A_424 : i1 to i32
      %parallel_loop3A_426 = arith.constant 0 : i32
      %parallel_loop3A_427 = arith.cmpi slt, %parallel_loop3A_420, %parallel_loop3A_426 : i32
      %parallel_loop3A_428 = arith.extui %parallel_loop3A_427 : i1 to i32
      %parallel_loop3A_429 = arith.subi %parallel_loop3A_425, %parallel_loop3A_428 : i32
      %parallel_loop3A_430 = arith.constant 0 : i32
      %parallel_loop3A_431 = arith.cmpi sgt, %parallel_loop3A_421, %parallel_loop3A_430 : i32
      %parallel_loop3A_432 = arith.extui %parallel_loop3A_431 : i1 to i32
      %parallel_loop3A_433 = arith.constant 0 : i32
      %parallel_loop3A_434 = arith.cmpi slt, %parallel_loop3A_421, %parallel_loop3A_433 : i32
      %parallel_loop3A_435 = arith.extui %parallel_loop3A_434 : i1 to i32
      %parallel_loop3A_436 = arith.subi %parallel_loop3A_432, %parallel_loop3A_435 : i32
      %parallel_loop3A_437 = arith.cmpi ne, %parallel_loop3A_429, %parallel_loop3A_436 : i32
      %parallel_loop3A_438 = arith.remsi %parallel_loop3A_420, %parallel_loop3A_421 : i32
      %parallel_loop3A_439 = arith.constant 0 : i32
      %parallel_loop3A_440 = arith.cmpi ne, %parallel_loop3A_438, %parallel_loop3A_439 : i32
      %parallel_loop3A_441 = arith.andi %parallel_loop3A_437, %parallel_loop3A_440 : i1
      %parallel_loop3A_442 = arith.constant 1 : i32
      %parallel_loop3A_443 = arith.subi %parallel_loop3A_422, %parallel_loop3A_442 : i32
      %parallel_loop3A_444 = arith.select %parallel_loop3A_441, %parallel_loop3A_443, %parallel_loop3A_422 : i32
      %parallel_loop3A_445 = arith.constant 4 : i32
      %parallel_loop3A_446 = arith.constant 0 : i32
      %parallel_loop3A_447 = arith.cmpi eq, %parallel_loop3A_445, %parallel_loop3A_446 : i32
      %parallel_loop3A_448 = arith.constant 1 : i32
      %parallel_loop3A_449 = arith.select %parallel_loop3A_447, %parallel_loop3A_448, %parallel_loop3A_445 : i32
      %parallel_loop3A_450 = arith.remsi %parallel_loop3A_420, %parallel_loop3A_449 : i32
      %parallel_loop3A_451 = arith.constant 0 : i32
      %parallel_loop3A_452 = arith.cmpi ne, %parallel_loop3A_450, %parallel_loop3A_451 : i32
      %parallel_loop3A_453 = arith.constant 0 : i32
      %parallel_loop3A_454 = arith.cmpi slt, %parallel_loop3A_450, %parallel_loop3A_453 : i32
      %parallel_loop3A_455 = arith.constant 0 : i32
      %parallel_loop3A_456 = arith.cmpi slt, %parallel_loop3A_449, %parallel_loop3A_455 : i32
      %parallel_loop3A_457 = arith.xori %parallel_loop3A_454, %parallel_loop3A_456 : i1
      %parallel_loop3A_458 = arith.andi %parallel_loop3A_457, %parallel_loop3A_452 : i1
      %parallel_loop3A_459 = arith.addi %parallel_loop3A_450, %parallel_loop3A_449 : i32
      %parallel_loop3A_460 = arith.select %parallel_loop3A_458, %parallel_loop3A_459, %parallel_loop3A_450 : i32
      %parallel_loop3A_461 = arith.constant 16 : i32
      %parallel_loop3A_462 = arith.muli %parallel_loop3A_460, %parallel_loop3A_461 : i32
      %parallel_loop3A_463 = arith.index_cast %parallel_loop3A_444 : i32 to index
      %parallel_loop3A_464 = arith.index_cast %parallel_loop3A_462 : i32 to index
      %parallel_loop3A_465 = tpu.vector_load %arg12[%parallel_loop3A_463, %parallel_loop3A_464] {strides = array<i32>} : memref<512x64xf32, #tpu.memory_space<vmem>>, vector<1x16xf32>,
      %parallel_loop3A_466 = vector.shape_cast %parallel_loop3A_465 : vector<1x16xf32> to vector<16xf32>
      %parallel_loop3A_467 = arith.index_cast %parallel_loop3A_444 : i32 to index
      %parallel_loop3A_468 = arith.index_cast %parallel_loop3A_462 : i32 to index
      %parallel_loop3A_469 = tpu.vector_load %arg13[%parallel_loop3A_467, %parallel_loop3A_468] {strides = array<i32>} : memref<512x64xf32, #tpu.memory_space<vmem>>, vector<1x16xf32>,
      %parallel_loop3A_470 = vector.shape_cast %parallel_loop3A_469 : vector<1x16xf32> to vector<16xf32>
      %parallel_loop3A_471 = arith.subf %parallel_loop3A_466, %parallel_loop3A_470 : vector<16xf32>
      %parallel_loop3A_472 = arith.index_cast %parallel_loop3A_444 : i32 to index
      %parallel_loop3A_473 = arith.index_cast %parallel_loop3A_462 : i32 to index
      %parallel_loop3A_474 = tpu.vector_load %arg14[%parallel_loop3A_472, %parallel_loop3A_473] {strides = array<i32>} : memref<512x64xf32, #tpu.memory_space<vmem>>, vector<1x16xf32>,
      %parallel_loop3A_475 = vector.shape_cast %parallel_loop3A_474 : vector<1x16xf32> to vector<16xf32>
      %parallel_loop3A_476 = arith.addf %parallel_loop3A_471, %parallel_loop3A_475 : vector<16xf32>
      %parallel_loop3A_477 = arith.index_cast %parallel_loop3A_444 : i32 to index
      %parallel_loop3A_478 = arith.index_cast %parallel_loop3A_462 : i32 to index
      %parallel_loop3A_479 = tpu.vector_load %arg12[%parallel_loop3A_477, %parallel_loop3A_478] {strides = array<i32>} : memref<512x64xf32, #tpu.memory_space<vmem>>, vector<1x16xf32>,
      %parallel_loop3A_480 = vector.shape_cast %parallel_loop3A_479 : vector<1x16xf32> to vector<16xf32>
      %parallel_loop3A_481 = vector.shape_cast %parallel_loop3A_476 : vector<16xf32> to vector<1x16xf32>
      tpu.vector_store %arg12[%parallel_loop3A_477, %parallel_loop3A_478], %parallel_loop3A_481 {strides = array<i32>} : memref<512x64xf32, #tpu.memory_space<vmem>>, vector<1x16xf32>,
    } {sc.loop_unroll_factor = 4 : i64, sc.parallel_access}
    %add3A_260 = arith.constant 128 : i32
    %add3A_261 = arith.addi %mul3A_2, %add3A_260 : i32
    %dma_start3A_262 = arith.constant 128 : i32
    %dma_start3A_263 = arith.constant 0 : i32
    %dma_start3A_264 = tpu.memref_slice %arg12[%dma_start3A_262, %dma_start3A_263] : memref<512x64xf32, #tpu.memory_space<vmem>> -> memref<128x64xf32, #tpu.memory_space<vmem>>
    %dma_start3A_265 = arith.constant 0 : i32
    %dma_start3A_266 = tpu.memref_slice %arg7[%add3A_261, %dma_start3A_265] : memref<16384x64xf32, #tpu.memory_space<hbm>> -> memref<128x64xf32, #tpu.memory_space<hbm>>
    %dma_start3A_267 = arith.constant 0 : i32
    %dma_start3A_268 = tpu.memref_slice %arg7[%add3A_261, %dma_start3A_267] : memref<16384x64xf32, #tpu.memory_space<hbm>> -> memref<128x64xf32, #tpu.memory_space<hbm>>
    %dma_start3A_269 = arith.constant 128 : i32
    %dma_start3A_270 = arith.constant 0 : i32
    %dma_start3A_271 = tpu.memref_slice %arg12[%dma_start3A_269, %dma_start3A_270] : memref<512x64xf32, #tpu.memory_space<vmem>> -> memref<128x64xf32, #tpu.memory_space<vmem>>
    tpu.enqueue_dma source(%dma_start3A_271 : memref<128x64xf32, #tpu.memory_space<vmem>>) target(%dma_start3A_268 : memref<128x64xf32, #tpu.memory_space<hbm>>) target_semaphore(%arg16 : memref<!tpu.dma_semaphore, #tpu.memory_space<semaphore_mem>>)
    %dma_wait3A_272 = arith.constant 2 : i32
    %dma_wait3A_273 = arith.constant 2 : i32
    %dma_wait3A_274 = arith.constant 256 : i32
    %dma_wait3A_275 = arith.constant 0 : i32
    %dma_wait3A_276 = tpu.memref_slice %arg12[%dma_wait3A_274, %dma_wait3A_275] : memref<512x64xf32, #tpu.memory_space<vmem>> -> memref<128x64xf32, #tpu.memory_space<vmem>>
    %dma_wait3A_277 = arith.constant 0 : i32
    %dma_wait3A_278 = tpu.memref_slice %arg9[%dma_wait3A_272, %dma_wait3A_277] : memref<4x128xi32, #tpu.memory_space<vmem>> -> memref<1x128xi32, #tpu.memory_space<vmem>>
    %dma_wait3A_279 = tpu.memref_squeeze %dma_wait3A_278 : memref<1x128xi32, #tpu.memory_space<vmem>> -> memref<128xi32, #tpu.memory_space<vmem>>
    %dma_wait3A_280 = arith.constant 0 : i32
    %dma_wait3A_281 = arith.constant 0 : i32
    %dma_wait3A_282 = tpu.memref_slice %arg8[%dma_wait3A_280, %dma_wait3A_281] : memref<2000x64xf32, #tpu.memory_space<vmem_shared>> -> memref<2000x64xf32, #tpu.memory_space<vmem_shared>>
    %dma_wait3A_283 = tpu.memref_slice %arg15[%dma_wait3A_273] : memref<4x!tpu.dma_semaphore, #tpu.memory_space<semaphore_mem>> -> memref<1x!tpu.dma_semaphore, #tpu.memory_space<semaphore_mem>>
    %dma_wait3A_284 = tpu.memref_squeeze %dma_wait3A_283 : memref<1x!tpu.dma_semaphore, #tpu.memory_space<semaphore_mem>> -> memref<!tpu.dma_semaphore, #tpu.memory_space<semaphore_mem>>
    tpu.wait_indirect_dma semaphore(%dma_wait3A_284 : memref<!tpu.dma_semaphore, #tpu.memory_space<semaphore_mem>>) src(%dma_wait3A_282 : memref<2000x64xf32, #tpu.memory_space<vmem_shared>>) dst(%dma_wait3A_276 : memref<128x64xf32, #tpu.memory_space<vmem>>)
    %dma_wait3A_285 = arith.constant 2 : i32
    %dma_wait3A_286 = arith.constant 2 : i32
    %dma_wait3A_287 = arith.constant 256 : i32
    %dma_wait3A_288 = arith.constant 0 : i32
    %dma_wait3A_289 = tpu.memref_slice %arg13[%dma_wait3A_287, %dma_wait3A_288] : memref<512x64xf32, #tpu.memory_space<vmem>> -> memref<128x64xf32, #tpu.memory_space<vmem>>
    %dma_wait3A_290 = arith.constant 0 : i32
    %dma_wait3A_291 = tpu.memref_slice %arg10[%dma_wait3A_285, %dma_wait3A_290] : memref<4x128xi32, #tpu.memory_space<vmem>> -> memref<1x128xi32, #tpu.memory_space<vmem>>
    %dma_wait3A_292 = tpu.memref_squeeze %dma_wait3A_291 : memref<1x128xi32, #tpu.memory_space<vmem>> -> memref<128xi32, #tpu.memory_space<vmem>>
    %dma_wait3A_293 = arith.constant 0 : i32
    %dma_wait3A_294 = arith.constant 0 : i32
    %dma_wait3A_295 = tpu.memref_slice %arg8[%dma_wait3A_293, %dma_wait3A_294] : memref<2000x64xf32, #tpu.memory_space<vmem_shared>> -> memref<2000x64xf32, #tpu.memory_space<vmem_shared>>
    %dma_wait3A_296 = tpu.memref_slice %arg15[%dma_wait3A_286] : memref<4x!tpu.dma_semaphore, #tpu.memory_space<semaphore_mem>> -> memref<1x!tpu.dma_semaphore, #tpu.memory_space<semaphore_mem>>
    %dma_wait3A_297 = tpu.memref_squeeze %dma_wait3A_296 : memref<1x!tpu.dma_semaphore, #tpu.memory_space<semaphore_mem>> -> memref<!tpu.dma_semaphore, #tpu.memory_space<semaphore_mem>>
    tpu.wait_indirect_dma semaphore(%dma_wait3A_297 : memref<!tpu.dma_semaphore, #tpu.memory_space<semaphore_mem>>) src(%dma_wait3A_295 : memref<2000x64xf32, #tpu.memory_space<vmem_shared>>) dst(%dma_wait3A_289 : memref<128x64xf32, #tpu.memory_space<vmem>>)
    %dma_wait3A_298 = arith.constant 2 : i32
    %dma_wait3A_299 = arith.constant 2 : i32
    %dma_wait3A_300 = arith.constant 256 : i32
    %dma_wait3A_301 = arith.constant 0 : i32
    %dma_wait3A_302 = tpu.memref_slice %arg14[%dma_wait3A_300, %dma_wait3A_301] : memref<512x64xf32, #tpu.memory_space<vmem>> -> memref<128x64xf32, #tpu.memory_space<vmem>>
    %dma_wait3A_303 = arith.constant 0 : i32
    %dma_wait3A_304 = tpu.memref_slice %arg11[%dma_wait3A_298, %dma_wait3A_303] : memref<4x128xi32, #tpu.memory_space<vmem>> -> memref<1x128xi32, #tpu.memory_space<vmem>>
    %dma_wait3A_305 = tpu.memref_squeeze %dma_wait3A_304 : memref<1x128xi32, #tpu.memory_space<vmem>> -> memref<128xi32, #tpu.memory_space<vmem>>
    %dma_wait3A_306 = arith.constant 0 : i32
    %dma_wait3A_307 = arith.constant 0 : i32
    %dma_wait3A_308 = tpu.memref_slice %arg8[%dma_wait3A_306, %dma_wait3A_307] : memref<2000x64xf32, #tpu.memory_space<vmem_shared>> -> memref<2000x64xf32, #tpu.memory_space<vmem_shared>>
    %dma_wait3A_309 = tpu.memref_slice %arg15[%dma_wait3A_299] : memref<4x!tpu.dma_semaphore, #tpu.memory_space<semaphore_mem>> -> memref<1x!tpu.dma_semaphore, #tpu.memory_space<semaphore_mem>>
    %dma_wait3A_310 = tpu.memref_squeeze %dma_wait3A_309 : memref<1x!tpu.dma_semaphore, #tpu.memory_space<semaphore_mem>> -> memref<!tpu.dma_semaphore, #tpu.memory_space<semaphore_mem>>
    tpu.wait_indirect_dma semaphore(%dma_wait3A_310 : memref<!tpu.dma_semaphore, #tpu.memory_space<semaphore_mem>>) src(%dma_wait3A_308 : memref<2000x64xf32, #tpu.memory_space<vmem_shared>>) dst(%dma_wait3A_302 : memref<128x64xf32, #tpu.memory_space<vmem>>)
    %parallel_loop3A_311 = arith.constant 1024 : i32
    %parallel_loop3A_312 = arith.constant 1536 : i32
    %parallel_loop3A_313 = arith.constant 1 : i32
    scf.for %parallel_loop3A_420 = %parallel_loop3A_311 to %parallel_loop3A_312 step %parallel_loop3A_313  : i32 {
      %parallel_loop3A_421 = arith.constant 4 : i32
      %parallel_loop3A_422 = arith.divsi %parallel_loop3A_420, %parallel_loop3A_421 : i32
      %parallel_loop3A_423 = arith.constant 0 : i32
      %parallel_loop3A_424 = arith.cmpi sgt, %parallel_loop3A_420, %parallel_loop3A_423 : i32
      %parallel_loop3A_425 = arith.extui %parallel_loop3A_424 : i1 to i32
      %parallel_loop3A_426 = arith.constant 0 : i32
      %parallel_loop3A_427 = arith.cmpi slt, %parallel_loop3A_420, %parallel_loop3A_426 : i32
      %parallel_loop3A_428 = arith.extui %parallel_loop3A_427 : i1 to i32
      %parallel_loop3A_429 = arith.subi %parallel_loop3A_425, %parallel_loop3A_428 : i32
      %parallel_loop3A_430 = arith.constant 0 : i32
      %parallel_loop3A_431 = arith.cmpi sgt, %parallel_loop3A_421, %parallel_loop3A_430 : i32
      %parallel_loop3A_432 = arith.extui %parallel_loop3A_431 : i1 to i32
      %parallel_loop3A_433 = arith.constant 0 : i32
      %parallel_loop3A_434 = arith.cmpi slt, %parallel_loop3A_421, %parallel_loop3A_433 : i32
      %parallel_loop3A_435 = arith.extui %parallel_loop3A_434 : i1 to i32
      %parallel_loop3A_436 = arith.subi %parallel_loop3A_432, %parallel_loop3A_435 : i32
      %parallel_loop3A_437 = arith.cmpi ne, %parallel_loop3A_429, %parallel_loop3A_436 : i32
      %parallel_loop3A_438 = arith.remsi %parallel_loop3A_420, %parallel_loop3A_421 : i32
      %parallel_loop3A_439 = arith.constant 0 : i32
      %parallel_loop3A_440 = arith.cmpi ne, %parallel_loop3A_438, %parallel_loop3A_439 : i32
      %parallel_loop3A_441 = arith.andi %parallel_loop3A_437, %parallel_loop3A_440 : i1
      %parallel_loop3A_442 = arith.constant 1 : i32
      %parallel_loop3A_443 = arith.subi %parallel_loop3A_422, %parallel_loop3A_442 : i32
      %parallel_loop3A_444 = arith.select %parallel_loop3A_441, %parallel_loop3A_443, %parallel_loop3A_422 : i32
      %parallel_loop3A_445 = arith.constant 4 : i32
      %parallel_loop3A_446 = arith.constant 0 : i32
      %parallel_loop3A_447 = arith.cmpi eq, %parallel_loop3A_445, %parallel_loop3A_446 : i32
      %parallel_loop3A_448 = arith.constant 1 : i32
      %parallel_loop3A_449 = arith.select %parallel_loop3A_447, %parallel_loop3A_448, %parallel_loop3A_445 : i32
      %parallel_loop3A_450 = arith.remsi %parallel_loop3A_420, %parallel_loop3A_449 : i32
      %parallel_loop3A_451 = arith.constant 0 : i32
      %parallel_loop3A_452 = arith.cmpi ne, %parallel_loop3A_450, %parallel_loop3A_451 : i32
      %parallel_loop3A_453 = arith.constant 0 : i32
      %parallel_loop3A_454 = arith.cmpi slt, %parallel_loop3A_450, %parallel_loop3A_453 : i32
      %parallel_loop3A_455 = arith.constant 0 : i32
      %parallel_loop3A_456 = arith.cmpi slt, %parallel_loop3A_449, %parallel_loop3A_455 : i32
      %parallel_loop3A_457 = arith.xori %parallel_loop3A_454, %parallel_loop3A_456 : i1
      %parallel_loop3A_458 = arith.andi %parallel_loop3A_457, %parallel_loop3A_452 : i1
      %parallel_loop3A_459 = arith.addi %parallel_loop3A_450, %parallel_loop3A_449 : i32
      %parallel_loop3A_460 = arith.select %parallel_loop3A_458, %parallel_loop3A_459, %parallel_loop3A_450 : i32
      %parallel_loop3A_461 = arith.constant 16 : i32
      %parallel_loop3A_462 = arith.muli %parallel_loop3A_460, %parallel_loop3A_461 : i32
      %parallel_loop3A_463 = arith.index_cast %parallel_loop3A_444 : i32 to index
      %parallel_loop3A_464 = arith.index_cast %parallel_loop3A_462 : i32 to index
      %parallel_loop3A_465 = tpu.vector_load %arg12[%parallel_loop3A_463, %parallel_loop3A_464] {strides = array<i32>} : memref<512x64xf32, #tpu.memory_space<vmem>>, vector<1x16xf32>,
      %parallel_loop3A_466 = vector.shape_cast %parallel_loop3A_465 : vector<1x16xf32> to vector<16xf32>
      %parallel_loop3A_467 = arith.index_cast %parallel_loop3A_444 : i32 to index
      %parallel_loop3A_468 = arith.index_cast %parallel_loop3A_462 : i32 to index
      %parallel_loop3A_469 = tpu.vector_load %arg13[%parallel_loop3A_467, %parallel_loop3A_468] {strides = array<i32>} : memref<512x64xf32, #tpu.memory_space<vmem>>, vector<1x16xf32>,
      %parallel_loop3A_470 = vector.shape_cast %parallel_loop3A_469 : vector<1x16xf32> to vector<16xf32>
      %parallel_loop3A_471 = arith.subf %parallel_loop3A_466, %parallel_loop3A_470 : vector<16xf32>
      %parallel_loop3A_472 = arith.index_cast %parallel_loop3A_444 : i32 to index
      %parallel_loop3A_473 = arith.index_cast %parallel_loop3A_462 : i32 to index
      %parallel_loop3A_474 = tpu.vector_load %arg14[%parallel_loop3A_472, %parallel_loop3A_473] {strides = array<i32>} : memref<512x64xf32, #tpu.memory_space<vmem>>, vector<1x16xf32>,
      %parallel_loop3A_475 = vector.shape_cast %parallel_loop3A_474 : vector<1x16xf32> to vector<16xf32>
      %parallel_loop3A_476 = arith.addf %parallel_loop3A_471, %parallel_loop3A_475 : vector<16xf32>
      %parallel_loop3A_477 = arith.index_cast %parallel_loop3A_444 : i32 to index
      %parallel_loop3A_478 = arith.index_cast %parallel_loop3A_462 : i32 to index
      %parallel_loop3A_479 = tpu.vector_load %arg12[%parallel_loop3A_477, %parallel_loop3A_478] {strides = array<i32>} : memref<512x64xf32, #tpu.memory_space<vmem>>, vector<1x16xf32>,
      %parallel_loop3A_480 = vector.shape_cast %parallel_loop3A_479 : vector<1x16xf32> to vector<16xf32>
      %parallel_loop3A_481 = vector.shape_cast %parallel_loop3A_476 : vector<16xf32> to vector<1x16xf32>
      tpu.vector_store %arg12[%parallel_loop3A_477, %parallel_loop3A_478], %parallel_loop3A_481 {strides = array<i32>} : memref<512x64xf32, #tpu.memory_space<vmem>>, vector<1x16xf32>,
    } {sc.loop_unroll_factor = 4 : i64, sc.parallel_access}
    %add3A_314 = arith.constant 256 : i32
    %add3A_315 = arith.addi %mul3A_2, %add3A_314 : i32
    %dma_start3A_316 = arith.constant 256 : i32
    %dma_start3A_317 = arith.constant 0 : i32
    %dma_start3A_318 = tpu.memref_slice %arg12[%dma_start3A_316, %dma_start3A_317] : memref<512x64xf32, #tpu.memory_space<vmem>> -> memref<128x64xf32, #tpu.memory_space<vmem>>
    %dma_start3A_319 = arith.constant 0 : i32
    %dma_start3A_320 = tpu.memref_slice %arg7[%add3A_315, %dma_start3A_319] : memref<16384x64xf32, #tpu.memory_space<hbm>> -> memref<128x64xf32, #tpu.memory_space<hbm>>
    %dma_start3A_321 = arith.constant 0 : i32
    %dma_start3A_322 = tpu.memref_slice %arg7[%add3A_315, %dma_start3A_321] : memref<16384x64xf32, #tpu.memory_space<hbm>> -> memref<128x64xf32, #tpu.memory_space<hbm>>
    %dma_start3A_323 = arith.constant 256 : i32
    %dma_start3A_324 = arith.constant 0 : i32
    %dma_start3A_325 = tpu.memref_slice %arg12[%dma_start3A_323, %dma_start3A_324] : memref<512x64xf32, #tpu.memory_space<vmem>> -> memref<128x64xf32, #tpu.memory_space<vmem>>
    tpu.enqueue_dma source(%dma_start3A_325 : memref<128x64xf32, #tpu.memory_space<vmem>>) target(%dma_start3A_322 : memref<128x64xf32, #tpu.memory_space<hbm>>) target_semaphore(%arg16 : memref<!tpu.dma_semaphore, #tpu.memory_space<semaphore_mem>>)
    %dma_wait3A_326 = arith.constant 3 : i32
    %dma_wait3A_327 = arith.constant 3 : i32
    %dma_wait3A_328 = arith.constant 384 : i32
    %dma_wait3A_329 = arith.constant 0 : i32
    %dma_wait3A_330 = tpu.memref_slice %arg12[%dma_wait3A_328, %dma_wait3A_329] : memref<512x64xf32, #tpu.memory_space<vmem>> -> memref<128x64xf32, #tpu.memory_space<vmem>>
    %dma_wait3A_331 = arith.constant 0 : i32
    %dma_wait3A_332 = tpu.memref_slice %arg9[%dma_wait3A_326, %dma_wait3A_331] : memref<4x128xi32, #tpu.memory_space<vmem>> -> memref<1x128xi32, #tpu.memory_space<vmem>>
    %dma_wait3A_333 = tpu.memref_squeeze %dma_wait3A_332 : memref<1x128xi32, #tpu.memory_space<vmem>> -> memref<128xi32, #tpu.memory_space<vmem>>
    %dma_wait3A_334 = arith.constant 0 : i32
    %dma_wait3A_335 = arith.constant 0 : i32
    %dma_wait3A_336 = tpu.memref_slice %arg8[%dma_wait3A_334, %dma_wait3A_335] : memref<2000x64xf32, #tpu.memory_space<vmem_shared>> -> memref<2000x64xf32, #tpu.memory_space<vmem_shared>>
    %dma_wait3A_337 = tpu.memref_slice %arg15[%dma_wait3A_327] : memref<4x!tpu.dma_semaphore, #tpu.memory_space<semaphore_mem>> -> memref<1x!tpu.dma_semaphore, #tpu.memory_space<semaphore_mem>>
    %dma_wait3A_338 = tpu.memref_squeeze %dma_wait3A_337 : memref<1x!tpu.dma_semaphore, #tpu.memory_space<semaphore_mem>> -> memref<!tpu.dma_semaphore, #tpu.memory_space<semaphore_mem>>
    tpu.wait_indirect_dma semaphore(%dma_wait3A_338 : memref<!tpu.dma_semaphore, #tpu.memory_space<semaphore_mem>>) src(%dma_wait3A_336 : memref<2000x64xf32, #tpu.memory_space<vmem_shared>>) dst(%dma_wait3A_330 : memref<128x64xf32, #tpu.memory_space<vmem>>)
    %dma_wait3A_339 = arith.constant 3 : i32
    %dma_wait3A_340 = arith.constant 3 : i32
    %dma_wait3A_341 = arith.constant 384 : i32
    %dma_wait3A_342 = arith.constant 0 : i32
    %dma_wait3A_343 = tpu.memref_slice %arg13[%dma_wait3A_341, %dma_wait3A_342] : memref<512x64xf32, #tpu.memory_space<vmem>> -> memref<128x64xf32, #tpu.memory_space<vmem>>
    %dma_wait3A_344 = arith.constant 0 : i32
    %dma_wait3A_345 = tpu.memref_slice %arg10[%dma_wait3A_339, %dma_wait3A_344] : memref<4x128xi32, #tpu.memory_space<vmem>> -> memref<1x128xi32, #tpu.memory_space<vmem>>
    %dma_wait3A_346 = tpu.memref_squeeze %dma_wait3A_345 : memref<1x128xi32, #tpu.memory_space<vmem>> -> memref<128xi32, #tpu.memory_space<vmem>>
    %dma_wait3A_347 = arith.constant 0 : i32
    %dma_wait3A_348 = arith.constant 0 : i32
    %dma_wait3A_349 = tpu.memref_slice %arg8[%dma_wait3A_347, %dma_wait3A_348] : memref<2000x64xf32, #tpu.memory_space<vmem_shared>> -> memref<2000x64xf32, #tpu.memory_space<vmem_shared>>
    %dma_wait3A_350 = tpu.memref_slice %arg15[%dma_wait3A_340] : memref<4x!tpu.dma_semaphore, #tpu.memory_space<semaphore_mem>> -> memref<1x!tpu.dma_semaphore, #tpu.memory_space<semaphore_mem>>
    %dma_wait3A_351 = tpu.memref_squeeze %dma_wait3A_350 : memref<1x!tpu.dma_semaphore, #tpu.memory_space<semaphore_mem>> -> memref<!tpu.dma_semaphore, #tpu.memory_space<semaphore_mem>>
    tpu.wait_indirect_dma semaphore(%dma_wait3A_351 : memref<!tpu.dma_semaphore, #tpu.memory_space<semaphore_mem>>) src(%dma_wait3A_349 : memref<2000x64xf32, #tpu.memory_space<vmem_shared>>) dst(%dma_wait3A_343 : memref<128x64xf32, #tpu.memory_space<vmem>>)
    %dma_wait3A_352 = arith.constant 3 : i32
    %dma_wait3A_353 = arith.constant 3 : i32
    %dma_wait3A_354 = arith.constant 384 : i32
    %dma_wait3A_355 = arith.constant 0 : i32
    %dma_wait3A_356 = tpu.memref_slice %arg14[%dma_wait3A_354, %dma_wait3A_355] : memref<512x64xf32, #tpu.memory_space<vmem>> -> memref<128x64xf32, #tpu.memory_space<vmem>>
    %dma_wait3A_357 = arith.constant 0 : i32
    %dma_wait3A_358 = tpu.memref_slice %arg11[%dma_wait3A_352, %dma_wait3A_357] : memref<4x128xi32, #tpu.memory_space<vmem>> -> memref<1x128xi32, #tpu.memory_space<vmem>>
    %dma_wait3A_359 = tpu.memref_squeeze %dma_wait3A_358 : memref<1x128xi32, #tpu.memory_space<vmem>> -> memref<128xi32, #tpu.memory_space<vmem>>
    %dma_wait3A_360 = arith.constant 0 : i32
    %dma_wait3A_361 = arith.constant 0 : i32
    %dma_wait3A_362 = tpu.memref_slice %arg8[%dma_wait3A_360, %dma_wait3A_361] : memref<2000x64xf32, #tpu.memory_space<vmem_shared>> -> memref<2000x64xf32, #tpu.memory_space<vmem_shared>>
    %dma_wait3A_363 = tpu.memref_slice %arg15[%dma_wait3A_353] : memref<4x!tpu.dma_semaphore, #tpu.memory_space<semaphore_mem>> -> memref<1x!tpu.dma_semaphore, #tpu.memory_space<semaphore_mem>>
    %dma_wait3A_364 = tpu.memref_squeeze %dma_wait3A_363 : memref<1x!tpu.dma_semaphore, #tpu.memory_space<semaphore_mem>> -> memref<!tpu.dma_semaphore, #tpu.memory_space<semaphore_mem>>
    tpu.wait_indirect_dma semaphore(%dma_wait3A_364 : memref<!tpu.dma_semaphore, #tpu.memory_space<semaphore_mem>>) src(%dma_wait3A_362 : memref<2000x64xf32, #tpu.memory_space<vmem_shared>>) dst(%dma_wait3A_356 : memref<128x64xf32, #tpu.memory_space<vmem>>)
    %parallel_loop3A_365 = arith.constant 1536 : i32
    %parallel_loop3A_366 = arith.constant 2048 : i32
    %parallel_loop3A_367 = arith.constant 1 : i32
    scf.for %parallel_loop3A_420 = %parallel_loop3A_365 to %parallel_loop3A_366 step %parallel_loop3A_367  : i32 {
      %parallel_loop3A_421 = arith.constant 4 : i32
      %parallel_loop3A_422 = arith.divsi %parallel_loop3A_420, %parallel_loop3A_421 : i32
      %parallel_loop3A_423 = arith.constant 0 : i32
      %parallel_loop3A_424 = arith.cmpi sgt, %parallel_loop3A_420, %parallel_loop3A_423 : i32
      %parallel_loop3A_425 = arith.extui %parallel_loop3A_424 : i1 to i32
      %parallel_loop3A_426 = arith.constant 0 : i32
      %parallel_loop3A_427 = arith.cmpi slt, %parallel_loop3A_420, %parallel_loop3A_426 : i32
      %parallel_loop3A_428 = arith.extui %parallel_loop3A_427 : i1 to i32
      %parallel_loop3A_429 = arith.subi %parallel_loop3A_425, %parallel_loop3A_428 : i32
      %parallel_loop3A_430 = arith.constant 0 : i32
      %parallel_loop3A_431 = arith.cmpi sgt, %parallel_loop3A_421, %parallel_loop3A_430 : i32
      %parallel_loop3A_432 = arith.extui %parallel_loop3A_431 : i1 to i32
      %parallel_loop3A_433 = arith.constant 0 : i32
      %parallel_loop3A_434 = arith.cmpi slt, %parallel_loop3A_421, %parallel_loop3A_433 : i32
      %parallel_loop3A_435 = arith.extui %parallel_loop3A_434 : i1 to i32
      %parallel_loop3A_436 = arith.subi %parallel_loop3A_432, %parallel_loop3A_435 : i32
      %parallel_loop3A_437 = arith.cmpi ne, %parallel_loop3A_429, %parallel_loop3A_436 : i32
      %parallel_loop3A_438 = arith.remsi %parallel_loop3A_420, %parallel_loop3A_421 : i32
      %parallel_loop3A_439 = arith.constant 0 : i32
      %parallel_loop3A_440 = arith.cmpi ne, %parallel_loop3A_438, %parallel_loop3A_439 : i32
      %parallel_loop3A_441 = arith.andi %parallel_loop3A_437, %parallel_loop3A_440 : i1
      %parallel_loop3A_442 = arith.constant 1 : i32
      %parallel_loop3A_443 = arith.subi %parallel_loop3A_422, %parallel_loop3A_442 : i32
      %parallel_loop3A_444 = arith.select %parallel_loop3A_441, %parallel_loop3A_443, %parallel_loop3A_422 : i32
      %parallel_loop3A_445 = arith.constant 4 : i32
      %parallel_loop3A_446 = arith.constant 0 : i32
      %parallel_loop3A_447 = arith.cmpi eq, %parallel_loop3A_445, %parallel_loop3A_446 : i32
      %parallel_loop3A_448 = arith.constant 1 : i32
      %parallel_loop3A_449 = arith.select %parallel_loop3A_447, %parallel_loop3A_448, %parallel_loop3A_445 : i32
      %parallel_loop3A_450 = arith.remsi %parallel_loop3A_420, %parallel_loop3A_449 : i32
      %parallel_loop3A_451 = arith.constant 0 : i32
      %parallel_loop3A_452 = arith.cmpi ne, %parallel_loop3A_450, %parallel_loop3A_451 : i32
      %parallel_loop3A_453 = arith.constant 0 : i32
      %parallel_loop3A_454 = arith.cmpi slt, %parallel_loop3A_450, %parallel_loop3A_453 : i32
      %parallel_loop3A_455 = arith.constant 0 : i32
      %parallel_loop3A_456 = arith.cmpi slt, %parallel_loop3A_449, %parallel_loop3A_455 : i32
      %parallel_loop3A_457 = arith.xori %parallel_loop3A_454, %parallel_loop3A_456 : i1
      %parallel_loop3A_458 = arith.andi %parallel_loop3A_457, %parallel_loop3A_452 : i1
      %parallel_loop3A_459 = arith.addi %parallel_loop3A_450, %parallel_loop3A_449 : i32
      %parallel_loop3A_460 = arith.select %parallel_loop3A_458, %parallel_loop3A_459, %parallel_loop3A_450 : i32
      %parallel_loop3A_461 = arith.constant 16 : i32
      %parallel_loop3A_462 = arith.muli %parallel_loop3A_460, %parallel_loop3A_461 : i32
      %parallel_loop3A_463 = arith.index_cast %parallel_loop3A_444 : i32 to index
      %parallel_loop3A_464 = arith.index_cast %parallel_loop3A_462 : i32 to index
      %parallel_loop3A_465 = tpu.vector_load %arg12[%parallel_loop3A_463, %parallel_loop3A_464] {strides = array<i32>} : memref<512x64xf32, #tpu.memory_space<vmem>>, vector<1x16xf32>,
      %parallel_loop3A_466 = vector.shape_cast %parallel_loop3A_465 : vector<1x16xf32> to vector<16xf32>
      %parallel_loop3A_467 = arith.index_cast %parallel_loop3A_444 : i32 to index
      %parallel_loop3A_468 = arith.index_cast %parallel_loop3A_462 : i32 to index
      %parallel_loop3A_469 = tpu.vector_load %arg13[%parallel_loop3A_467, %parallel_loop3A_468] {strides = array<i32>} : memref<512x64xf32, #tpu.memory_space<vmem>>, vector<1x16xf32>,
      %parallel_loop3A_470 = vector.shape_cast %parallel_loop3A_469 : vector<1x16xf32> to vector<16xf32>
      %parallel_loop3A_471 = arith.subf %parallel_loop3A_466, %parallel_loop3A_470 : vector<16xf32>
      %parallel_loop3A_472 = arith.index_cast %parallel_loop3A_444 : i32 to index
      %parallel_loop3A_473 = arith.index_cast %parallel_loop3A_462 : i32 to index
      %parallel_loop3A_474 = tpu.vector_load %arg14[%parallel_loop3A_472, %parallel_loop3A_473] {strides = array<i32>} : memref<512x64xf32, #tpu.memory_space<vmem>>, vector<1x16xf32>,
      %parallel_loop3A_475 = vector.shape_cast %parallel_loop3A_474 : vector<1x16xf32> to vector<16xf32>
      %parallel_loop3A_476 = arith.addf %parallel_loop3A_471, %parallel_loop3A_475 : vector<16xf32>
      %parallel_loop3A_477 = arith.index_cast %parallel_loop3A_444 : i32 to index
      %parallel_loop3A_478 = arith.index_cast %parallel_loop3A_462 : i32 to index
      %parallel_loop3A_479 = tpu.vector_load %arg12[%parallel_loop3A_477, %parallel_loop3A_478] {strides = array<i32>} : memref<512x64xf32, #tpu.memory_space<vmem>>, vector<1x16xf32>,
      %parallel_loop3A_480 = vector.shape_cast %parallel_loop3A_479 : vector<1x16xf32> to vector<16xf32>
      %parallel_loop3A_481 = vector.shape_cast %parallel_loop3A_476 : vector<16xf32> to vector<1x16xf32>
      tpu.vector_store %arg12[%parallel_loop3A_477, %parallel_loop3A_478], %parallel_loop3A_481 {strides = array<i32>} : memref<512x64xf32, #tpu.memory_space<vmem>>, vector<1x16xf32>,
    } {sc.loop_unroll_factor = 4 : i64, sc.parallel_access}
    %add3A_368 = arith.constant 384 : i32
    %add3A_369 = arith.addi %mul3A_2, %add3A_368 : i32
    %dma_start3A_370 = arith.constant 384 : i32
    %dma_start3A_371 = arith.constant 0 : i32
    %dma_start3A_372 = tpu.memref_slice %arg12[%dma_start3A_370, %dma_start3A_371] : memref<512x64xf32, #tpu.memory_space<vmem>> -> memref<128x64xf32, #tpu.memory_space<vmem>>
    %dma_start3A_373 = arith.constant 0 : i32
    %dma_start3A_374 = tpu.memref_slice %arg7[%add3A_369, %dma_start3A_373] : memref<16384x64xf32, #tpu.memory_space<hbm>> -> memref<128x64xf32, #tpu.memory_space<hbm>>
    %dma_start3A_375 = arith.constant 0 : i32
    %dma_start3A_376 = tpu.memref_slice %arg7[%add3A_369, %dma_start3A_375] : memref<16384x64xf32, #tpu.memory_space<hbm>> -> memref<128x64xf32, #tpu.memory_space<hbm>>
    %dma_start3A_377 = arith.constant 384 : i32
    %dma_start3A_378 = arith.constant 0 : i32
    %dma_start3A_379 = tpu.memref_slice %arg12[%dma_start3A_377, %dma_start3A_378] : memref<512x64xf32, #tpu.memory_space<vmem>> -> memref<128x64xf32, #tpu.memory_space<vmem>>
    tpu.enqueue_dma source(%dma_start3A_379 : memref<128x64xf32, #tpu.memory_space<vmem>>) target(%dma_start3A_376 : memref<128x64xf32, #tpu.memory_space<hbm>>) target_semaphore(%arg16 : memref<!tpu.dma_semaphore, #tpu.memory_space<semaphore_mem>>)
    %dma_wait3A_380 = arith.constant 0 : i32
    %dma_wait3A_381 = arith.constant 0 : i32
    %dma_wait3A_382 = tpu.memref_slice %arg12[%dma_wait3A_380, %dma_wait3A_381] : memref<512x64xf32, #tpu.memory_space<vmem>> -> memref<128x64xf32, #tpu.memory_space<vmem>>
    %dma_wait3A_383 = arith.constant 0 : i32
    %dma_wait3A_384 = tpu.memref_slice %arg7[%add3A_207, %dma_wait3A_383] : memref<16384x64xf32, #tpu.memory_space<hbm>> -> memref<128x64xf32, #tpu.memory_space<hbm>>
    %dma_wait3A_385 = arith.constant 0 : i32
    %dma_wait3A_386 = tpu.memref_slice %arg7[%add3A_207, %dma_wait3A_385] : memref<16384x64xf32, #tpu.memory_space<hbm>> -> memref<128x64xf32, #tpu.memory_space<hbm>>
    %dma_wait3A_387 = arith.constant 0 : i32
    %dma_wait3A_388 = arith.constant 0 : i32
    %dma_wait3A_389 = tpu.memref_slice %arg12[%dma_wait3A_387, %dma_wait3A_388] : memref<512x64xf32, #tpu.memory_space<vmem>> -> memref<128x64xf32, #tpu.memory_space<vmem>>
    tpu.wait_dma2 semaphore(%arg16 : memref<!tpu.dma_semaphore, #tpu.memory_space<semaphore_mem>>) src(%dma_wait3A_389 : memref<128x64xf32, #tpu.memory_space<vmem>>) dst(%dma_wait3A_386 : memref<128x64xf32, #tpu.memory_space<hbm>>)
    %dma_wait3A_390 = arith.constant 128 : i32
    %dma_wait3A_391 = arith.constant 0 : i32
    %dma_wait3A_392 = tpu.memref_slice %arg12[%dma_wait3A_390, %dma_wait3A_391] : memref<512x64xf32, #tpu.memory_space<vmem>> -> memref<128x64xf32, #tpu.memory_space<vmem>>
    %dma_wait3A_393 = arith.constant 0 : i32
    %dma_wait3A_394 = tpu.memref_slice %arg7[%add3A_261, %dma_wait3A_393] : memref<16384x64xf32, #tpu.memory_space<hbm>> -> memref<128x64xf32, #tpu.memory_space<hbm>>
    %dma_wait3A_395 = arith.constant 0 : i32
    %dma_wait3A_396 = tpu.memref_slice %arg7[%add3A_261, %dma_wait3A_395] : memref<16384x64xf32, #tpu.memory_space<hbm>> -> memref<128x64xf32, #tpu.memory_space<hbm>>
    %dma_wait3A_397 = arith.constant 128 : i32
    %dma_wait3A_398 = arith.constant 0 : i32
    %dma_wait3A_399 = tpu.memref_slice %arg12[%dma_wait3A_397, %dma_wait3A_398] : memref<512x64xf32, #tpu.memory_space<vmem>> -> memref<128x64xf32, #tpu.memory_space<vmem>>
    tpu.wait_dma2 semaphore(%arg16 : memref<!tpu.dma_semaphore, #tpu.memory_space<semaphore_mem>>) src(%dma_wait3A_399 : memref<128x64xf32, #tpu.memory_space<vmem>>) dst(%dma_wait3A_396 : memref<128x64xf32, #tpu.memory_space<hbm>>)
    %dma_wait3A_400 = arith.constant 256 : i32
    %dma_wait3A_401 = arith.constant 0 : i32
    %dma_wait3A_402 = tpu.memref_slice %arg12[%dma_wait3A_400, %dma_wait3A_401] : memref<512x64xf32, #tpu.memory_space<vmem>> -> memref<128x64xf32, #tpu.memory_space<vmem>>
    %dma_wait3A_403 = arith.constant 0 : i32
    %dma_wait3A_404 = tpu.memref_slice %arg7[%add3A_315, %dma_wait3A_403] : memref<16384x64xf32, #tpu.memory_space<hbm>> -> memref<128x64xf32, #tpu.memory_space<hbm>>
    %dma_wait3A_405 = arith.constant 0 : i32
    %dma_wait3A_406 = tpu.memref_slice %arg7[%add3A_315, %dma_wait3A_405] : memref<16384x64xf32, #tpu.memory_space<hbm>> -> memref<128x64xf32, #tpu.memory_space<hbm>>
    %dma_wait3A_407 = arith.constant 256 : i32
    %dma_wait3A_408 = arith.constant 0 : i32
    %dma_wait3A_409 = tpu.memref_slice %arg12[%dma_wait3A_407, %dma_wait3A_408] : memref<512x64xf32, #tpu.memory_space<vmem>> -> memref<128x64xf32, #tpu.memory_space<vmem>>
    tpu.wait_dma2 semaphore(%arg16 : memref<!tpu.dma_semaphore, #tpu.memory_space<semaphore_mem>>) src(%dma_wait3A_409 : memref<128x64xf32, #tpu.memory_space<vmem>>) dst(%dma_wait3A_406 : memref<128x64xf32, #tpu.memory_space<hbm>>)
    %dma_wait3A_410 = arith.constant 384 : i32
    %dma_wait3A_411 = arith.constant 0 : i32
    %dma_wait3A_412 = tpu.memref_slice %arg12[%dma_wait3A_410, %dma_wait3A_411] : memref<512x64xf32, #tpu.memory_space<vmem>> -> memref<128x64xf32, #tpu.memory_space<vmem>>
    %dma_wait3A_413 = arith.constant 0 : i32
    %dma_wait3A_414 = tpu.memref_slice %arg7[%add3A_369, %dma_wait3A_413] : memref<16384x64xf32, #tpu.memory_space<hbm>> -> memref<128x64xf32, #tpu.memory_space<hbm>>
    %dma_wait3A_415 = arith.constant 0 : i32
    %dma_wait3A_416 = tpu.memref_slice %arg7[%add3A_369, %dma_wait3A_415] : memref<16384x64xf32, #tpu.memory_space<hbm>> -> memref<128x64xf32, #tpu.memory_space<hbm>>
    %dma_wait3A_417 = arith.constant 384 : i32
    %dma_wait3A_418 = arith.constant 0 : i32
    %dma_wait3A_419 = tpu.memref_slice %arg12[%dma_wait3A_417, %dma_wait3A_418] : memref<512x64xf32, #tpu.memory_space<vmem>> -> memref<128x64xf32, #tpu.memory_space<vmem>>
    tpu.wait_dma2 semaphore(%arg16 : memref<!tpu.dma_semaphore, #tpu.memory_space<semaphore_mem>>) src(%dma_wait3A_419 : memref<128x64xf32, #tpu.memory_space<vmem>>) dst(%dma_wait3A_416 : memref<128x64xf32, #tpu.memory_space<hbm>>)
    return
  }
}

</mosaic_0001>

<sc_bundles>
// kernel: _sc_call.3.cloned.1.call-start
scs
__scs_entry_jumppad:
0x0: {  	(pc) =	sbr.rel $0x88, $3  }
0x1: {  	(tag) =	ssettag $0x0;
	lr =	simm.s32 $0x1  }
0x2: {  	[smem:$0x3F9C] =	sst lr;
	_ =	strace $0xD0000000  }
0x3: {  	_ = 	snop  }
0x4: {  	_ = 	snop  }
0x5: {  	_ = 	snop  }
0x6: {  	_ = 	snop  }
0x7: {  	_ = 	snop  }
__scs_overlays_trampoline_lowered:
0x8: {  	[smem:$0x3FAB] =	sst s0  }
0x9: {  	[smem:$0x3FAC] =	sst s1  }
0xa: {  	[smem:$0x3FAD] =	sst s2  }
0xb: {  	[smem:$0x3FAE] =	sst s3  }
0xc: {  	[smem:$0x3FAF] =	sst s4  }
0xd: {  	[smem:$0x3FB0] =	sst s5  }
0xe: {  	[smem:$0x3FB1] =	sst s6  }
0xf: {  	[smem:$0x3FB2] =	sst s7  }
0x10: {  	[smem:$0x3FB3] =	sst s8  }
0x11: {  	[smem:$0x3FB4] =	sst s9;
	s0 =	simm.s32 @!p0 $0x0  }
0x12: {  	s1 =	sld [smem:$0x3F9A];
	s0 =	simm.s32 @p0 $0x1  }
0x13: {  	[smem:$0x3FB5] =	sst s0;
	s0 =	simm.s32 @!p1 $0x0  }
0x14: {  	s2 =	sld [smem:$0x3F99];
	s0 =	simm.s32 @p1 $0x1  }
0x15: {  	[smem:$0x3FB6] =	sst s0;
	s0 =	simm.s32 @!p2 $0x0  }
0x16: {  	s3 =	sld [smem:$0x3FDB];
	s0 =	simm.s32 @p2 $0x1  }
0x17: {  	s4 =	simm.s32 $0x1BF5;
	[smem:$0x3FB8] =	sst s0  }
0x18: {  	s0 =	sld [smem:$0x3F9B];
	_ =	swait.ge [sflag:s4], $0x0  }
0x19: {  	s7 =	sld [smem:$0x3F9C]  }
0x1a: {  	s8 =	sadd.s32 $0xFFFFE003, lr  }
0x1b: {  	s9 =	sadd.s32 $0xFFFFFEF7, lr;
	s5 =	simm.s32 $0xFFFFFFFF;
	p2 =	slt.u32 s8, $0xFFFFF086  }
0x1c: {  	p1 =	slt.u32 s9, $0xF7A;
	s5 =	simm.s32 @!p2 $0x0  }
0x1d: {  	s5 =	simm.s32 @p1 $0x1;
	p0 =	seq.s32 s7, s2  }
0x1e: {  	s7 =	smul.u32 @!p0 $0xF7A, s2;
	p2 =	seq.s32 @!p0 s5, $0x0  }
0x1f: {  	s9 =	smul.u32 $0xF7A, s1;
	s8 =	simm.s32 @!p0 $0x1BF5;
	p2 =	por !p2, p0  }
0x20: {  	[sflag:s8] =	ssyncset.s32 @!p0 $0xFFFFF086;
	s6 =	sadd.s32 @!p0 s3, s7;
	s7 =	simm.s32 @!p0 $0x108  }
0x21: {  	s3 =	sadd.s32 s3, s9;
	s6 =	sadd.s32 @!p0 $0x88, s6;
	s7 =	simm.s32 @p2 $0x1082  }
0x22: {  	[simem:s7], [sflag:s8] =	dma.local @!p0 [hbm:s6], $0xF7A  }
0x23: {  	s9 =	sor.u32 $0xD0000000, s2;
	s6 =	simm.s32 $0x108;
	_ =	swait.ge @!p0 [sflag:s8], $0x0  }
0x24: {  	s3 =	sadd.s32 $0x88, s3;
	s6 =	simm.s32 @!p1 $0x1082;
	[sflag:s4] =	ssyncset.s32 $0xFFFFF086  }
0x25: {  	[simem:s6], [sflag:s4] =	dma.local [hbm:s3], $0xF7A  }
0x26: {  	[smem:$0x3F9C] =	sst s1;
	(tag) =	ssettag s2;
	_ =	strace s9  }
0x27: {  	s1 =	sld [smem:$0x3FAC]  }
0x28: {  	s2 =	sld [smem:$0x3FAD]  }
0x29: {  	s4 =	sld [smem:$0x3FAF]  }
0x2a: {  	p0 =	seq.s32 s5, $0x0;
	s5 =	sld [smem:$0x3FB0]  }
0x2b: {  	s6 =	sld [smem:$0x3FB1]  }
0x2c: {  	s7 =	sld [smem:$0x3FB2]  }
0x2d: {  	s3 =	simm.s32 $0x108;
	s8 =	sld [smem:$0x3FB3]  }
0x2e: {  	s3 =	simm.s32 @!p0 $0x1082;
	s9 =	sld [smem:$0x3FB4]  }
0x2f: {  	lr =	sadd.s32 s0, s3;
	s0 =	sld [smem:$0x3FAB]  }
0x30: {  	s3 =	sld [smem:$0x3FAE]  }
0x31: {  	[smem:$0x3FB7] =	sst s10  }
0x32: {  	s10 =	sld [smem:$0x3FB5];
	_ =	sdelay $0x3  }
0x33: {  	p0 =	seq.s32 s10, $0x1;
	s10 =	sld [smem:$0x3FB7];
	_ =	sdelay $0x3  }
0x34: {  	[smem:$0x3FB7] =	sst s10  }
0x35: {  	s10 =	sld [smem:$0x3FB6];
	_ =	sdelay $0x3  }
0x36: {  	p1 =	seq.s32 s10, $0x1;
	s10 =	sld [smem:$0x3FB7];
	_ =	sdelay $0x3  }
0x37: {  	[smem:$0x3FB7] =	sst s10  }
0x38: {  	s10 =	sld [smem:$0x3FB8]  }
0x39: {  	_ = 	snop;
	(pc) =	sbr.ind lr, $3  }
0x3a: {  	_ = 	snop  }
0x3b: {  	_ = 	snop  }
0x3c: {  	p2 =	seq.s32 s10, $0x1;
	s10 =	sld [smem:$0x3FB7]  }
0x3d: {  	_ =	shalt  }
0x3e: {  	_ =	shalt  }
0x3f: {  	_ =	shalt  }
0x40: {  	_ =	shalt  }
0x41: {  	_ =	shalt  }
0x42: {  	_ =	shalt  }
0x43: {  	_ =	shalt  }
0x44: {  	_ =	shalt  }
0x45: {  	_ =	shalt  }
0x46: {  	_ =	shalt  }
0x47: {  	_ =	shalt  }
0x48: {  	_ =	shalt  }
0x49: {  	_ =	shalt  }
0x4a: {  	_ =	shalt  }
0x4b: {  	_ =	shalt  }
0x4c: {  	_ =	shalt  }
0x4d: {  	_ =	shalt  }
0x4e: {  	_ =	shalt  }
0x4f: {  	_ =	shalt  }
0x50: {  	_ =	shalt  }
0x51: {  	_ =	shalt  }
0x52: {  	_ =	shalt  }
0x53: {  	_ =	shalt  }
0x54: {  	_ =	shalt  }
0x55: {  	_ =	shalt  }
0x56: {  	_ =	shalt  }
0x57: {  	_ =	shalt  }
0x58: {  	_ =	shalt  }
0x59: {  	_ =	shalt  }
0x5a: {  	_ =	shalt  }
0x5b: {  	_ =	shalt  }
0x5c: {  	_ =	shalt  }
0x5d: {  	_ =	shalt  }
0x5e: {  	_ =	shalt  }
0x5f: {  	_ =	shalt  }
0x60: {  	_ =	shalt  }
0x61: {  	_ =	shalt  }
0x62: {  	_ =	shalt  }
0x63: {  	_ =	shalt  }
0x64: {  	_ =	shalt  }
0x65: {  	_ =	shalt  }
0x66: {  	_ =	shalt  }
0x67: {  	_ =	shalt  }
0x68: {  	_ =	shalt  }
0x69: {  	_ =	shalt  }
0x6a: {  	_ =	shalt  }
0x6b: {  	_ =	shalt  }
0x6c: {  	_ =	shalt  }
0x6d: {  	_ =	shalt  }
0x6e: {  	_ =	shalt  }
0x6f: {  	_ =	shalt  }
0x70: {  	_ =	shalt  }
0x71: {  	_ =	shalt  }
0x72: {  	_ =	shalt  }
0x73: {  	_ =	shalt  }
0x74: {  	_ =	shalt  }
0x75: {  	_ =	shalt  }
0x76: {  	_ =	shalt  }
0x77: {  	_ =	shalt  }
0x78: {  	_ =	shalt  }
0x79: {  	_ =	shalt  }
0x7a: {  	_ =	shalt  }
0x7b: {  	_ =	shalt  }
0x7c: {  	_ =	shalt  }
0x7d: {  	_ =	shalt  }
0x7e: {  	_ =	shalt  }
0x7f: {  	_ =	shalt  }
0x80: {  	_ =	shalt  }
0x81: {  	_ =	shalt  }
0x82: {  	_ =	shalt  }
0x83: {  	_ =	shalt  }
0x84: {  	_ =	shalt  }
0x85: {  	_ =	shalt  }
0x86: {  	_ =	shalt  }
0x87: {  	_ =	shalt  }
.Lfunc_end0:
.L_simem_size_0:
called_computation_lowered:
.L_overlay_start_0:
0x88: {  	s2 =	sld [smem:$0x3FD9]  }
0x89: {  	s3 =	sld [smem:$0x3FFE];
	_ =	sdelay $0x1  }
0x8a: {  	s1 =	srdreg.scid  }
0x8b: {  	s0 =	sand.u32 $0x1, s1  }
0x8c: {  	s17 =	sshll.u32 s0, $0xA;
	s2 =	sadd.s32 s3, s2  }
0x8d: {  	s2 =	sadd.s32 s2, s17  }
0x8e: {  	[smem:$0x3FC3] =	sst s2  }
0x8f: {  	_ = 	snop  }
0x90: {  	s2 =	sld [smem:$0x3FC7]  }
0x91: {  	s18 =	sld [smem:$0x3FC6]  }
0x92: {  	s4 =	sld [smem:$0x3FC5]  }
0x93: {  	s5 =	sld [smem:$0x3FD0];
	(tm) =	ssettm $0x1  }
0x94: {  	s6 =	sld [smem:$0x3FFB];
	_ =	sdelay $0x3  }
0x95: {  	_ =	strace s6  }
0x96: {  	s6 =	sld [smem:$0x3FFC];
	_ =	sdelay $0x3  }
0x97: {  	_ =	strace s6  }
0x98: {  	s6 =	sld [smem:$0x3FFD];
	_ =	sdelay $0x3  }
0x99: {  	_ =	strace s6  }
0x9a: {  	_ =	strace $0x8FFFFFFF  }
0x9b: {  	s19 =	sld [smem:$0x3FDB];
	_ =	sdelay $0x1  }
0x9c: {  	s7 =	simm.s32 $_scs_section_size  }
0x9d: {  	s8 =	simm.s32 $_size__tile_overlayer_lowered;
	s9 =	simm.s32 $_tile_overlayer_lowered  }
0x9e: {  	s22 =	simm.s32 $0x1BFF;
	s21 =	sshll.u32 s9, $0x1;
	s6 =	sadd.s32 s7, s19  }
0x9f: {  	s10 =	simm.s32 $0x0;
	s20 =	sshll.u32 s8, $0x1;
	s8 =	sadd.s32 s21, s6  }
0xa0: {  	[timem:s10], [sflag:s22] =	dma.local [hbm:s8], s20  }
0xa1: {  	_ =	swait.ge [sflag:s22], s20  }
0xa2: {  	s7 =	ssub.s32 $0x0, s20;
	[sflag:s22] =	ssyncset.done $0x0  }
0xa3: {  	[sflag:s22] =	ssyncadd.s32 s7;
	_ =	sdelay $0x1  }
0xa4: {  	s23 =	simm.s32 $0x1B8B  }
0xa5: {  	_ =	swait.ge [sflag:s23], $0x1  }
0xa6: {  	[sflag:s23] =	ssyncset.done $0x0  }
0xa7: {  	s25 =	simm.s32 $0x1B8E;
	s24 =	sld [smem:$0x3FFE];
	[sflag:s23] =	ssyncadd.s32 $0xFFFFFFFF  }
0xa8: {  	s26 =	simm.s32 $execute0_lowered;
	[smem:$0x3FD2] =	sst s25  }
0xa9: {  	s8 =	sshll.u32 s26, $0x1;
	_ =	strace $0x80000046;
	[dreg:$0x1] =	wrdreg $0xFFFFFFFF  }
0xaa: {  	s28 =	simm.s32 $_size_execute0_lowered;
	s6 =	sadd.s32 s6, s8;
	[dreg:$0x0] =	wrdreg $0x0  }
0xab: {  	s8 =	sshll.u32 s28, $0x1;
	[dreg:$0x2] =	wrdreg s6  }
0xac: {  	[dreg:$0x3] =	wrdreg s8  }
0xad: {  	[dreg:$0x4] =	wrdreg $0xC0  }
0xae: {  	_ =	task [dreg:s10], $0x5FFFF  }
0xaf: {  	[dreg:$0x1] =	wrdreg $0xFFFFFFFF  }
0xb0: {  	[dreg:$0x0] =	wrdreg $0x60  }
0xb1: {  	[dreg:$0x2] =	wrdreg s24  }
0xb2: {  	[dreg:$0x3] =	wrdreg s2  }
0xb3: {  	[dreg:$0x4] =	wrdreg s18  }
0xb4: {  	[dreg:$0x5] =	wrdreg s4  }
0xb5: {  	[dreg:$0x6] =	wrdreg s5  }
0xb6: {  	[dreg:$0x7] =	wrdreg $0x0  }
0xb7: {  	[dreg:$0x8] =	wrdreg $0x9  }
0xb8: {  	_ =	task.clear_ibuf [dreg:s10], $0x9FFFF;
	_ =	strace $0x90000046  }
0xb9: {  	s29 =	simm.s32 $0x9;
	_ =	strace $0x80000048  }
0xba: {  	_ =	swait.ge [sflag:s29], $0x1  }
0xbb: {  	[sflag:s29] =	ssyncadd.s32 $0xFFFFFFFF  }
0xbc: {  	_ =	strace $0x90000048  }
0xbd: {  	_ =	sfence  }
0xbe: {  	s30 =	sld [smem:$0x0];
	_ =	sdelay $0x2  }
0xbf: {  	s31 =	sshll.u32 s1, $0xD;
	s1 =	sshrl.u32 s1, $0x2  }
0xc0: {  	s3 =	sand.u32 $0x4000, s31;
	s1 =	sadd.s32 s1, s30  }
0xc1: {  	s0 =	sor.u32 s3, s0;
	s1 =	sshll.u32 s1, $0x11  }
0xc2: {  	s0 =	sor.u32 s1, s0  }
0xc3: {  	s0 =	sadd.s32 $0x8F2B, s0  }
0xc4: {  	[sflag:s0] =	ssyncadd.remote.s32 $0x1  }
0xc5: {  	_ =	sfence.sel $0xFFFF  }
0xc6: {  	[dreg:$0x0] =	wrdreg $0xFFFFFFFF;
	(pc) =	sbr.abs _section_cstart, $3  }
0xc7: {  	[dreg:$0x1] =	wrdreg $0xFFFFFFFF  }
0xc8: {  	_ =	task.clear_ibuf [dreg:s10], $0x2FFFF;
	_ =	strace $0x9FFFFFFF  }
0xc9: {  	(tm) =	ssettm $0x7FFFFFFF  }
tec
execute0_lowered:
.L_overlay_start_1:
0x0: {  	(tag) =	ssettag $0x1  }
0x1: {  	s0 =	rddreg [dreg:$0x0]  }
0x2: {  	s1 =	rddreg [dreg:$0x1]  }
0x3: {  	s4 =	rddreg [dreg:$0x2]  }
0x4: {  	s5 =	rddreg [dreg:$0x3]  }
0x5: {  	s8 =	rddreg [dreg:$0x4];
	s17 =	stileid.u32  }
0x6: {  	s2 =	rddreg [dreg:$0x5];
	s3 =	simm.s32 $0x0;
	s7 =	srdreg.scid  }
0x7: {  	s15 =	simm.s32 $0x2140;
	s16 =	simm.s32 $0x2340;
	s19 =	simm.s32 $0x80  }
0x8: {  	s20 =	simm.s32 $0x2540;
	s31 =	simm.s32 $0x6540;
	s21 =	simm.s32 $0x3  }
0x9: {  	s22 =	simm.s32 $0x4;
	s9 =	smul.u32 $0x1F40, s17;
	[smem:$0x7FF] =	sst s3  }
0xa: {  	s23 =	sand.u32 $0x1, s7;
	s11 =	sshll.u32 s17, $0xA;
	s14 =	smul.u32 $0x7D00, s17  }
0xb: {  	p0 =	slt.u32 s17, $0x8;
	s30 =	sshll.u32 s17, $0x6;
	_ =	strace $0x80000047  }
0xc: {  	s12 =	sshll.u32 s23, $0x9;
	s17 =	sor.u32 $0x1C06, s30;
	s6 =	sshrl.u32 s9, $0x3  }
0xd: {  	s24 =	sadd.s32 $0xFFFF0600, s9;
	s11 =	sor.u32 s12, s11;
	s28 =	sshrl.u32 s14, $0x2  }
0xe: {  	s14 =	simm.s32 $0x6;
	s10 =	sadd.s32 s6, s0;
	s7 =	sshrl.u32 s24, $0x3  }
0xf: {  	s6 =	ssub.s32 $0x2, s23;
	s13 =	sshrl.u32 s11, $0x3;
	s29 =	sshll.u32 s11, $0x3  }
0x10: {  	s24 =	simm.s32 $0x4540;
	s23 =	simm.s32 $0x5;
	s25 =	sshrl.u32 s6, $0x1  }
0x11: {  	s0 =	sadd.s32 s7, s0;
	s1 =	sadd.s32 s1, s13;
	s26 =	sadd.s32 s4, s13  }
0x12: {  	s8 =	sadd.s32 s8, s29;
	s4 =	sadd.s32 $0x400, s10;
	[dreg:$0x7] =	wrdreg s1  }
0x13: {  	s12 =	ssub.s32 s6, s25;
	[dreg:$0x8] =	wrdreg s26;
	s6 =	sadd.s32 s5, s13  }
0x14: {  	s1 =	sadd.s32 s28, s2;
	s7 =	sadd.s32 $0x2400, s0;
	s0 =	sadd.s32 s9, s2  }
0x15: {  	s9 =	sadd.s32 $0x400, s8;
	s10 =	sadd.s32 $0x800, s8;
	s11 =	sadd.s32 $0xC00, s8  }
0x16: {  	s13 =	simm.s32 $0x1F40;
	s25 =	simm.s32 $0x8540;
	s26 =	simm.s32 $0x0  }
0x17: {  	s12 =	smax.u32 s12, $0x1;
	s7 =	smov.u32 @p0 s4;
	s1 =	smov.u32 @p0 s0  }
0x18: {  	s0 =	simm.s32 $0x2;
	s18 =	sshrl.u32 s1, $0x3;
	s1 =	simm.s32 $0x1  }
.LBB2_1:
0x19: {  	s4 =	rddreg [dreg:$0x7]  }
0x1a: {  	[tilespmem:s13], [sflag:$0x6] =	stream.linear.gather [hbm4b:s4+s3], $0x200, $0x38;
	[tilespmem:$0x1A540] =	vst v63  }
0x1b: {  	_ =	swait.ge [sflag:s14], $0x200  }
0x1c: {  	[sflag:s14] =	ssyncset.done $0x0  }
0x1d: {  	s5 =	rddreg [dreg:$0x8];
	[sflag:s14] =	ssyncadd.s32 $0xFFFFFE00  }
0x1e: {  	[tilespmem:s15], [sflag:$0x6] =	stream.linear.gather [hbm4b:s5+s3], $0x200, $0x38;
	[tilespmem:$0x1A540] =	vst v63  }
0x1f: {  	_ =	swait.ge [sflag:s14], $0x200  }
0x20: {  	[sflag:s14] =	ssyncset.done $0x0  }
0x21: {  	[sflag:s14] =	ssyncadd.s32 $0xFFFFFE00  }
0x22: {  	[tilespmem:s16], [sflag:$0x6] =	stream.linear.gather [hbm4b:s6+s3], $0x200, $0x38;
	[tilespmem:$0x1A540] =	vst v63  }
0x23: {  	_ =	swait.ge [sflag:s14], $0x200  }
0x24: {  	[sflag:s14] =	ssyncset.done $0x0  }
0x25: {  	[sflag:s14] =	ssyncadd.s32 $0xFFFFFE00  }
0x26: {  	[spmem:s18], [sflag:s17] =	dma.local [hbm:s7], $0x3E8  }
0x27: {  	_ =	swait.ge [sflag:s14], $0x3E8  }
0x28: {  	[sflag:s14] =	ssyncset.done $0x0  }
0x29: {  	[sflag:s14] =	ssyncadd.s32 $0xFFFFFC18  }
0x2a: {  	[bflag:$0x0] =	sbarrier.arrive $0xFFFF  }
0x2b: {  	[tilespmem:s20], [sflag:$0x1] =	stream.indirect.gather [spmem:s2], $0x40, s13, s19, $0xb8;
	[tilespmem:$0x1A540] =	vst v63  }
0x2c: {  	s5 =	simm.s32 $0xA540  }
0x2d: {  	[tilespmem:s5], [sflag:$0x1] =	stream.indirect.gather [spmem:s2], $0x40, s15, s19, $0xb8;
	[tilespmem:$0x1A540] =	vst v63  }
0x2e: {  	s5 =	simm.s32 $0x12540  }
0x2f: {  	[tilespmem:s5], [sflag:$0x1] =	stream.indirect.gather [spmem:s2], $0x40, s16, s19, $0xb8;
	[tilespmem:$0x1A540] =	vst v63  }
0x30: {  	s5 =	simm.s32 $0x1FC0  }
0x31: {  	[tilespmem:s24], [sflag:$0x2] =	stream.indirect.gather [spmem:s2], $0x40, s5, s19, $0xb8;
	[tilespmem:$0x1A540] =	vst v63  }
0x32: {  	s4 =	simm.s32 $0x21C0;
	s5 =	simm.s32 $0xC540  }
0x33: {  	[tilespmem:s5], [sflag:$0x2] =	stream.indirect.gather [spmem:s2], $0x40, s4, s19, $0xb8;
	[tilespmem:$0x1A540] =	vst v63  }
0x34: {  	s4 =	simm.s32 $0x23C0;
	s5 =	simm.s32 $0x14540  }
0x35: {  	[tilespmem:s5], [sflag:$0x2] =	stream.indirect.gather [spmem:s2], $0x40, s4, s19, $0xb8;
	[tilespmem:$0x1A540] =	vst v63  }
0x36: {  	s5 =	simm.s32 $0x2040  }
0x37: {  	[tilespmem:s31], [sflag:$0x3] =	stream.indirect.gather [spmem:s2], $0x40, s5, s19, $0xb8;
	[tilespmem:$0x1A540] =	vst v63  }
0x38: {  	s4 =	simm.s32 $0x2240;
	s5 =	simm.s32 $0xE540  }
0x39: {  	[tilespmem:s5], [sflag:$0x3] =	stream.indirect.gather [spmem:s2], $0x40, s4, s19, $0xb8;
	[tilespmem:$0x1A540] =	vst v63  }
0x3a: {  	s4 =	simm.s32 $0x2440;
	s5 =	simm.s32 $0x16540  }
0x3b: {  	[tilespmem:s5], [sflag:$0x3] =	stream.indirect.gather [spmem:s2], $0x40, s4, s19, $0xb8;
	[tilespmem:$0x1A540] =	vst v63  }
0x3c: {  	s5 =	simm.s32 $0x20C0  }
0x3d: {  	[tilespmem:s25], [sflag:$0x4] =	stream.indirect.gather [spmem:s2], $0x40, s5, s19, $0xb8;
	[tilespmem:$0x1A540] =	vst v63  }
0x3e: {  	s4 =	simm.s32 $0x22C0;
	s5 =	simm.s32 $0x10540  }
0x3f: {  	[tilespmem:s5], [sflag:$0x4] =	stream.indirect.gather [spmem:s2], $0x40, s4, s19, $0xb8;
	[tilespmem:$0x1A540] =	vst v63  }
0x40: {  	s4 =	simm.s32 $0x24C0;
	s5 =	simm.s32 $0x18540  }
0x41: {  	[tilespmem:s5], [sflag:$0x4] =	stream.indirect.gather [spmem:s2], $0x40, s4, s19, $0xb8;
	[tilespmem:$0x1A540] =	vst v63  }
0x42: {  	_ =	swait.ge [sflag:s1], $0x2000  }
0x43: {  	[sflag:s1] =	ssyncset.done $0x0  }
0x44: {  	[sflag:s1] =	ssyncadd.s32 $0xFFFFE000  }
0x45: {  	_ =	swait.ge [sflag:s1], $0x2000  }
0x46: {  	[sflag:s1] =	ssyncset.done $0x0  }
0x47: {  	[sflag:s1] =	ssyncadd.s32 $0xFFFFE000  }
0x48: {  	_ =	swait.ge [sflag:s1], $0x2000  }
0x49: {  	[sflag:s1] =	ssyncset.done $0x0  }
0x4a: {  	s28 =	simm.s32 $0x2560;
	[sflag:s1] =	ssyncadd.s32 $0xFFFFE000  }
0x4b: {  	s29 =	simm.s32 $0xA560;
	v2 =	vld [tilespmem:s28+$0x10]  }
0x4c: {  	v3 =	vld [tilespmem:s29+$0x10]  }
0x4d: {  	s30 =	simm.s32 $0x12560;
	v0 =	vld [tilespmem:s29+$0xFFFFFFE0]  }
0x4e: {  	v4 =	vld [tilespmem:s30+$0x10]  }
0x4f: {  	v7 =	vld [tilespmem:s28+$0xFFFFFFF0]  }
0x50: {  	v8 =	vld [tilespmem:s29+$0xFFFFFFF0]  }
0x51: {  	v1 =	vld [tilespmem:s28+$0x0]  }
0x52: {  	v5 =	vld [tilespmem:s29+$0x0];
	v2 =	vsub.f32 v2, v3  }
0x53: {  	v6 =	vld [tilespmem:s28+$0xFFFFFFE0]  }
0x54: {  	v9 =	vadd.f32 v4, v2;
	v2 =	vld [tilespmem:s30+$0xFFFFFFE0]  }
0x55: {  	v4 =	vld [tilespmem:s30+$0xFFFFFFF0]  }
0x56: {  	s4 =	simm.s32 $0x0;
	s5 =	simm.s32 $0x25A0;
	v3 =	vsub.f32 v7, v8;
	v7 =	vld [tilespmem:s30+$0x0];
	[tilespmem:s28+$0x10] =	vst v9  }
.LBB2_2:
0x57: {  	v8 =	vld [tilespmem:s5+$0x10];
	v1 =	vsub.f32 v1, v5;
	s29 =	sadd.s32 $0x40, s29  }
0x58: {  	s4 =	sadd.s32 $0x4, s4;
	v5 =	vld [tilespmem:s29+$0x10];
	v6 =	vsub.f32 v6, v0  }
0x59: {  	s30 =	sadd.s32 $0x40, s30;
	p0 =	slt.u32 s4, $0x1FC;
	v0 =	vld [tilespmem:s29+$0xFFFFFFE0]  }
0x5a: {  	v9 =	vld [tilespmem:s30+$0x10];
	v2 =	vadd.f32 v2, v6;
	v3 =	vadd.f32 v4, v3  }
0x5b: {  	v4 =	vld [tilespmem:s5+$0xFFFFFFF0];
	v6 =	vadd.f32 v7, v1  }
0x5c: {  	v7 =	vld [tilespmem:s29+$0xFFFFFFF0];
	[tilespmem:s28+$0xFFFFFFE0] =	vst v2  }
0x5d: {  	v1 =	vld [tilespmem:s5+$0x0];
	v2 =	vsub.f32 v8, v5;
	[tilespmem:s28+$0xFFFFFFF0] =	vst v3  }
.Ltmp0:
0x5e: {  	v5 =	vld [tilespmem:s29+$0x0];
	[tilespmem:s28+$0x0] =	vst v6;
	s28 =	smov.u32 s5;
	(pc) =	sbr.rel @p0 .LBB2_2-.Ltmp0, $4  }
0x5f: {  	v6 =	vld [tilespmem:s5+$0xFFFFFFE0];
	v8 =	vadd.f32 v9, v2  }
0x60: {  	v2 =	vld [tilespmem:s30+$0xFFFFFFE0]  }
0x61: {  	v3 =	vsub.f32 v4, v7;
	v4 =	vld [tilespmem:s30+$0xFFFFFFF0];
	[tilespmem:s5+$0x10] =	vst v8  }
0x62: {  	s5 =	sadd.s32 $0x40, s5;
	v7 =	vld [tilespmem:s30+$0x0]  }
0x63: {  	_ = 	snop  }
0x64: {  	v0 =	vsub.f32 v6, v0;
	_ =	sdelay $0x1  }
0x65: {  	v1 =	vsub.f32 v1, v5;
	v0 =	vadd.f32 v2, v0  }
0x66: {  	v2 =	vadd.f32 v4, v3  }
0x67: {  	v1 =	vadd.f32 v7, v1;
	[tilespmem:s28+$0xFFFFFFE0] =	vst v0  }
0x68: {  	[tilespmem:s28+$0xFFFFFFF0] =	vst v2  }
0x69: {  	[tilespmem:s28+$0x0] =	vst v1  }
0x6a: {  	[hbm4b:s8+s3] =	stream.linear.scatter [tilespmem:s20], [sflag:$0x5], $0x2000, $0x38;
	[tilespmem:$0x1A540] =	vst v63  }
0x6b: {  	_ =	swait.ge [sflag:s0], $0x2000  }
0x6c: {  	[sflag:s0] =	ssyncset.done $0x0  }
0x6d: {  	[sflag:s0] =	ssyncadd.s32 $0xFFFFE000  }
0x6e: {  	_ =	swait.ge [sflag:s0], $0x2000  }
0x6f: {  	[sflag:s0] =	ssyncset.done $0x0  }
0x70: {  	[sflag:s0] =	ssyncadd.s32 $0xFFFFE000  }
0x71: {  	_ =	swait.ge [sflag:s0], $0x2000  }
0x72: {  	[sflag:s0] =	ssyncset.done $0x0  }
0x73: {  	s28 =	simm.s32 $0x4570;
	[sflag:s0] =	ssyncadd.s32 $0xFFFFE000  }
0x74: {  	s29 =	simm.s32 $0xC570;
	v2 =	vld [tilespmem:s28+$0x0]  }
0x75: {  	v3 =	vld [tilespmem:s29+$0x0]  }
0x76: {  	s30 =	simm.s32 $0x14570;
	v0 =	vld [tilespmem:s29+$0xFFFFFFD0]  }
0x77: {  	v4 =	vld [tilespmem:s30+$0x0]  }
0x78: {  	v7 =	vld [tilespmem:s28+$0xFFFFFFE0]  }
0x79: {  	v8 =	vld [tilespmem:s29+$0xFFFFFFE0]  }
0x7a: {  	v1 =	vld [tilespmem:s28+$0xFFFFFFF0]  }
0x7b: {  	v5 =	vld [tilespmem:s29+$0xFFFFFFF0];
	v2 =	vsub.f32 v2, v3  }
0x7c: {  	v6 =	vld [tilespmem:s28+$0xFFFFFFD0]  }
0x7d: {  	v9 =	vadd.f32 v4, v2;
	v2 =	vld [tilespmem:s30+$0xFFFFFFD0]  }
0x7e: {  	v4 =	vld [tilespmem:s30+$0xFFFFFFE0]  }
0x7f: {  	s4 =	simm.s32 $0x200;
	s5 =	simm.s32 $0x45B0;
	v3 =	vsub.f32 v7, v8;
	v7 =	vld [tilespmem:s30+$0xFFFFFFF0];
	[tilespmem:s28+$0x0] =	vst v9  }
.LBB2_4:
0x80: {  	v8 =	vld [tilespmem:s5+$0x0];
	v1 =	vsub.f32 v1, v5;
	s29 =	sadd.s32 $0x40, s29  }
0x81: {  	s4 =	sadd.s32 $0x4, s4;
	v5 =	vld [tilespmem:s29+$0x0];
	v6 =	vsub.f32 v6, v0  }
0x82: {  	s30 =	sadd.s32 $0x40, s30;
	p0 =	slt.u32 s4, $0x3FC;
	v0 =	vld [tilespmem:s29+$0xFFFFFFD0]  }
0x83: {  	v9 =	vld [tilespmem:s30+$0x0];
	v2 =	vadd.f32 v2, v6;
	v3 =	vadd.f32 v4, v3  }
0x84: {  	v4 =	vld [tilespmem:s5+$0xFFFFFFE0];
	v6 =	vadd.f32 v7, v1  }
0x85: {  	v7 =	vld [tilespmem:s29+$0xFFFFFFE0];
	[tilespmem:s28+$0xFFFFFFD0] =	vst v2  }
0x86: {  	v1 =	vld [tilespmem:s5+$0xFFFFFFF0];
	v2 =	vsub.f32 v8, v5;
	[tilespmem:s28+$0xFFFFFFE0] =	vst v3  }
.Ltmp1:
0x87: {  	v5 =	vld [tilespmem:s29+$0xFFFFFFF0];
	[tilespmem:s28+$0xFFFFFFF0] =	vst v6;
	s28 =	smov.u32 s5;
	(pc) =	sbr.rel @p0 .LBB2_4-.Ltmp1, $4  }
0x88: {  	v6 =	vld [tilespmem:s5+$0xFFFFFFD0];
	v8 =	vadd.f32 v9, v2  }
0x89: {  	v2 =	vld [tilespmem:s30+$0xFFFFFFD0]  }
0x8a: {  	v3 =	vsub.f32 v4, v7;
	v4 =	vld [tilespmem:s30+$0xFFFFFFE0];
	[tilespmem:s5+$0x0] =	vst v8  }
0x8b: {  	s5 =	sadd.s32 $0x40, s5;
	v7 =	vld [tilespmem:s30+$0xFFFFFFF0]  }
0x8c: {  	_ = 	snop  }
0x8d: {  	v0 =	vsub.f32 v6, v0;
	_ =	sdelay $0x1  }
0x8e: {  	v1 =	vsub.f32 v1, v5;
	v0 =	vadd.f32 v2, v0  }
0x8f: {  	v2 =	vadd.f32 v4, v3  }
0x90: {  	v1 =	vadd.f32 v7, v1;
	[tilespmem:s28+$0xFFFFFFD0] =	vst v0  }
0x91: {  	[tilespmem:s28+$0xFFFFFFE0] =	vst v2  }
0x92: {  	s4 =	simm.s32 $0x0;
	[tilespmem:s28+$0xFFFFFFF0] =	vst v1  }
0x93: {  	[hbm4b:s9+s4] =	stream.linear.scatter [tilespmem:s24], [sflag:$0x5], $0x2000, $0x38;
	[tilespmem:$0x1A540] =	vst v63  }
0x94: {  	_ =	swait.ge [sflag:s21], $0x2000  }
0x95: {  	[sflag:s21] =	ssyncset.done $0x0  }
0x96: {  	[sflag:s21] =	ssyncadd.s32 $0xFFFFE000  }
0x97: {  	_ =	swait.ge [sflag:s21], $0x2000  }
0x98: {  	[sflag:s21] =	ssyncset.done $0x0  }
0x99: {  	[sflag:s21] =	ssyncadd.s32 $0xFFFFE000  }
0x9a: {  	_ =	swait.ge [sflag:s21], $0x2000  }
0x9b: {  	[sflag:s21] =	ssyncset.done $0x0  }
0x9c: {  	s28 =	simm.s32 $0x0;
	[sflag:s21] =	ssyncadd.s32 $0xFFFFE000  }
0x9d: {  	v1 =	vld [tilespmem:s28+$0x6570]  }
0x9e: {  	v3 =	vld [tilespmem:s28+$0xE570]  }
0x9f: {  	v5 =	vld [tilespmem:s28+$0x6540]  }
0xa0: {  	v4 =	vld [tilespmem:s28+$0x16570]  }
0xa1: {  	v6 =	vld [tilespmem:s28+$0xE540]  }
0xa2: {  	v0 =	vld [tilespmem:s28+$0x6550]  }
0xa3: {  	v2 =	vld [tilespmem:s28+$0xE550];
	v7 =	vsub.f32 v1, v3  }
0xa4: {  	v1 =	vld [tilespmem:s28+$0x6560]  }
0xa5: {  	v3 =	vld [tilespmem:s28+$0xE560];
	v7 =	vadd.f32 v4, v7  }
0xa6: {  	v4 =	vld [tilespmem:s28+$0x16540]  }
0xa7: {  	s5 =	simm.s32 $0x100;
	s4 =	simm.s32 $0x400;
	v5 =	vsub.f32 v5, v6;
	v6 =	vld [tilespmem:s28+$0x16550];
	[tilespmem:s28+$0x6570] =	vst v7  }
.LBB2_6:
0xa8: {  	s29 =	sshra.s32 s5, $0x2;
	v0 =	vsub.f32 v0, v2;
	v2 =	vld [tilespmem:s28+$0x16560]  }
0xa9: {  	s4 =	sadd.s32 $0x4, s4;
	v7 =	vld [tilespmem:s29+$0x6570]  }
0xaa: {  	p0 =	slt.u32 s4, $0x5FC;
	v8 =	vld [tilespmem:s29+$0xE570];
	v1 =	vsub.f32 v1, v3  }
0xab: {  	v9 =	vld [tilespmem:s29+$0x6540];
	v3 =	vadd.f32 v4, v5  }
0xac: {  	v4 =	vld [tilespmem:s29+$0x16570];
	v5 =	vadd.f32 v6, v0  }
0xad: {  	v6 =	vld [tilespmem:s29+$0xE540];
	[tilespmem:s28+$0x6540] =	vst v3;
	v1 =	vadd.f32 v2, v1  }
0xae: {  	v0 =	vld [tilespmem:s29+$0x6550];
	[tilespmem:s28+$0x6550] =	vst v5  }
.Ltmp2:
0xaf: {  	v2 =	vld [tilespmem:s29+$0xE550];
	v5 =	vsub.f32 v7, v8;
	[tilespmem:s28+$0x6560] =	vst v1;
	s28 =	smov.u32 s29;
	(pc) =	sbr.rel @p0 .LBB2_6-.Ltmp2, $4  }
0xb0: {  	v1 =	vld [tilespmem:s28+$0x6560]  }
0xb1: {  	v3 =	vld [tilespmem:s28+$0xE560];
	v7 =	vadd.f32 v4, v5  }
0xb2: {  	v5 =	vsub.f32 v9, v6;
	v4 =	vld [tilespmem:s28+$0x16540]  }
0xb3: {  	s5 =	sadd.s32 $0x100, s5;
	v6 =	vld [tilespmem:s28+$0x16550];
	[tilespmem:s28+$0x6570] =	vst v7  }
0xb4: {  	v7 =	vld [tilespmem:s28+$0x16560];
	_ =	sdelay $0x1  }
0xb5: {  	v0 =	vsub.f32 v0, v2  }
0xb6: {  	v1 =	vsub.f32 v1, v3;
	v2 =	vadd.f32 v4, v5  }
0xb7: {  	v0 =	vadd.f32 v6, v0  }
0xb8: {  	[tilespmem:s28+$0x6540] =	vst v2;
	v1 =	vadd.f32 v7, v1  }
0xb9: {  	[tilespmem:s28+$0x6550] =	vst v0  }
0xba: {  	s4 =	simm.s32 $0x0;
	[tilespmem:s28+$0x6560] =	vst v1  }
0xbb: {  	[hbm4b:s10+s4] =	stream.linear.scatter [tilespmem:s31], [sflag:$0x5], $0x2000, $0x38;
	[tilespmem:$0x1A540] =	vst v63  }
0xbc: {  	_ =	swait.ge [sflag:s22], $0x2000  }
0xbd: {  	[sflag:s22] =	ssyncset.done $0x0  }
0xbe: {  	[sflag:s22] =	ssyncadd.s32 $0xFFFFE000  }
0xbf: {  	_ =	swait.ge [sflag:s22], $0x2000  }
0xc0: {  	[sflag:s22] =	ssyncset.done $0x0  }
0xc1: {  	[sflag:s22] =	ssyncadd.s32 $0xFFFFE000  }
0xc2: {  	_ =	swait.ge [sflag:s22], $0x2000  }
0xc3: {  	[sflag:s22] =	ssyncset.done $0x0  }
0xc4: {  	s28 =	simm.s32 $0x0;
	[sflag:s22] =	ssyncadd.s32 $0xFFFFE000  }
0xc5: {  	v1 =	vld [tilespmem:s28+$0x8570]  }
0xc6: {  	v3 =	vld [tilespmem:s28+$0x10570]  }
0xc7: {  	v5 =	vld [tilespmem:s28+$0x8540]  }
0xc8: {  	v4 =	vld [tilespmem:s28+$0x18570]  }
0xc9: {  	v6 =	vld [tilespmem:s28+$0x10540]  }
0xca: {  	v0 =	vld [tilespmem:s28+$0x8550]  }
0xcb: {  	v2 =	vld [tilespmem:s28+$0x10550];
	v7 =	vsub.f32 v1, v3  }
0xcc: {  	v1 =	vld [tilespmem:s28+$0x8560]  }
0xcd: {  	v3 =	vld [tilespmem:s28+$0x10560];
	v7 =	vadd.f32 v4, v7  }
0xce: {  	v4 =	vld [tilespmem:s28+$0x18540]  }
0xcf: {  	s5 =	simm.s32 $0x100;
	s4 =	simm.s32 $0x600;
	v5 =	vsub.f32 v5, v6;
	v6 =	vld [tilespmem:s28+$0x18550];
	[tilespmem:s28+$0x8570] =	vst v7  }
.LBB2_8:
0xd0: {  	s29 =	sshra.s32 s5, $0x2;
	v0 =	vsub.f32 v0, v2;
	v2 =	vld [tilespmem:s28+$0x18560]  }
0xd1: {  	s4 =	sadd.s32 $0x4, s4;
	v7 =	vld [tilespmem:s29+$0x8570]  }
0xd2: {  	p0 =	slt.u32 s4, $0x7FC;
	v8 =	vld [tilespmem:s29+$0x10570];
	v1 =	vsub.f32 v1, v3  }
0xd3: {  	v9 =	vld [tilespmem:s29+$0x8540];
	v3 =	vadd.f32 v4, v5  }
0xd4: {  	v4 =	vld [tilespmem:s29+$0x18570];
	v5 =	vadd.f32 v6, v0  }
0xd5: {  	v6 =	vld [tilespmem:s29+$0x10540];
	[tilespmem:s28+$0x8540] =	vst v3;
	v1 =	vadd.f32 v2, v1  }
0xd6: {  	v0 =	vld [tilespmem:s29+$0x8550];
	[tilespmem:s28+$0x8550] =	vst v5  }
.Ltmp3:
0xd7: {  	v2 =	vld [tilespmem:s29+$0x10550];
	v5 =	vsub.f32 v7, v8;
	[tilespmem:s28+$0x8560] =	vst v1;
	s28 =	smov.u32 s29;
	(pc) =	sbr.rel @p0 .LBB2_8-.Ltmp3, $4  }
0xd8: {  	v1 =	vld [tilespmem:s28+$0x8560]  }
0xd9: {  	v3 =	vld [tilespmem:s28+$0x10560];
	v7 =	vadd.f32 v4, v5  }
0xda: {  	v5 =	vsub.f32 v9, v6;
	v4 =	vld [tilespmem:s28+$0x18540]  }
0xdb: {  	s5 =	sadd.s32 $0x100, s5;
	v6 =	vld [tilespmem:s28+$0x18550];
	[tilespmem:s28+$0x8570] =	vst v7  }
0xdc: {  	v7 =	vld [tilespmem:s28+$0x18560];
	_ =	sdelay $0x1  }
0xdd: {  	v0 =	vsub.f32 v0, v2  }
0xde: {  	v1 =	vsub.f32 v1, v3;
	v63 =	vadd.f32 v4, v5  }
0xdf: {  	v0 =	vadd.f32 v6, v0  }
0xe0: {  	[tilespmem:s28+$0x8540] =	vst v63;
	v1 =	vadd.f32 v7, v1  }
0xe1: {  	[tilespmem:s28+$0x8550] =	vst v0  }
0xe2: {  	[tilespmem:s28+$0x8560] =	vst v1  }
0xe3: {  	[hbm4b:s11+s3] =	stream.linear.scatter [tilespmem:s25], [sflag:$0x5], $0x2000, $0x38;
	[tilespmem:$0x1A540] =	vst v63  }
0xe4: {  	_ =	swait.ge [sflag:s23], $0x2000  }
0xe5: {  	[sflag:s23] =	ssyncset.done $0x0  }
0xe6: {  	[sflag:s23] =	ssyncadd.s32 $0xFFFFE000  }
0xe7: {  	_ =	swait.ge [sflag:s23], $0x2000  }
0xe8: {  	[sflag:s23] =	ssyncset.done $0x0  }
0xe9: {  	s26 =	sadd.s32 $0x1, s26;
	[sflag:s23] =	ssyncadd.s32 $0xFFFFE000  }
0xea: {  	p0 =	sne.s32 s26, s12;
	_ =	swait.ge [sflag:s23], $0x2000  }
.Ltmp4:
0xeb: {  	[sflag:s23] =	ssyncset.done $0x0;
	(pc) =	sbr.rel @p0 .LBB2_1-.Ltmp4, $4  }
0xec: {  	[sflag:s23] =	ssyncadd.s32 $0xFFFFE000  }
0xed: {  	_ =	swait.ge [sflag:s23], $0x2000  }
0xee: {  	[sflag:s23] =	ssyncset.done $0x0  }
0xef: {  	[sflag:s23] =	ssyncadd.s32 $0xFFFFE000  }
0xf0: {  	_ =	sfence.sel $0x180000  }
0xf1: {  	[bflag:$0x0] =	sbarrier.arrive $0xFFFF  }
0xf2: {  	_ =	strace $0x90000047  }
0xf3: {  	s0 =	stileid.u32;
	[bflag:$0x2] =	sbarrier.arrive $0xFFFF  }
0xf4: {  	p0 =	sne.s32 s0, $0x0;
	s0 =	rddreg [dreg:$0x6]  }
0xf5: {  	s0 =	sadd.s32 @!p0 $0x100000, s0  }
0xf6: {  	[sflag:s0] =	ssyncadd.tile.s32 @!p0 $0x1;
	_ =	shalt  }
.Lfunc_end2:
_tile_overlayer_lowered:
.L_overlay_start_2:
0xf7: {  	(tag) =	ssettag $0x2  }
0xf8: {  	s0 =	rddreg [dreg:$0x0];
	s2 =	stileid.u32  }
0xf9: {  	s1 =	rddreg [dreg:$0x1];
	p0 =	sne.s32 s2, $0x0  }
0xfa: {  	s3 =	rddreg [dreg:$0x2];
	[bflag:$0x3] =	sbarrier.arrive $0xFFFF;
	s2 =	simm.s32 @!p0 $0x1C06  }
0xfb: {  	[timem:s3], [sflag:s2] =	dma.local @!p0 [hbm:s0], s1  }
0xfc: {  	s0 =	simm.s32 @!p0 $0x6  }
0xfd: {  	_ =	swait.ge @!p0 [sflag:s0], s1  }
0xfe: {  	s1 =	ssub.s32 @!p0 $0x0, s1;
	[sflag:s0] =	ssyncset.done @!p0 $0x0  }
0xff: {  	[sflag:s0] =	ssyncadd.s32 @!p0 s1  }
0x100: {  	[bflag:$0x3] =	sbarrier.arrive $0xFFFF  }
0x101: {  	_ =	shalt  }

</sc_bundles>
